<compile_context>
chip_gen: v7x
topology: tpu7x:2x2x1
jax: 0.10.2.dev20260603
libtpu: 0.0.44.dev20260713+nightly
codegen_flags: <defaults>
</compile_context>

<pallas_src>
import functools

import jax
import jax.numpy as jnp
from jax import lax
from jax.experimental import pallas as pl
from jax.experimental.pallas import tpu as pltpu
from jax.experimental.pallas import tpu_sc as plsc

N = 10000
E = 320000
D_IN = 128
H1 = 256
H2 = 128

NC = 2
NS = 16
NW = NC * NS
EPW = E // NW
CH = 80
NCHUNK = EPW // CH
CHA = 80
NCHA = EPW // CHA
RPS = 624
TAIL0 = (NS - 1) * RPS
TAILN = N - TAIL0


def _sc_mesh():
    return plsc.VectorSubcoreMesh(core_axis_name="c", subcore_axis_name="s",
                                  num_cores=NC, num_subcores=NS)



NCH2 = E // NS // CH


def _sc_degrees(ids4, zrows, ones_rows):

    @functools.partial(
        pl.kernel,
        out_type=jax.ShapeDtypeStruct((2, N, D_IN), jnp.float32),
        mesh=_sc_mesh(),
        scratch_types=[
            pltpu.VMEM((NCH2, CH), jnp.int32),
            pltpu.VMEM((CH, D_IN), jnp.float32),
            pltpu.VMEM_SHARED((N, D_IN), jnp.float32),
            pltpu.SemaphoreType.DMA,
        ],
    )
    def deg_kernel(ids_hbm, z_hbm, ones_hbm, out_hbm, ids_v, ones_v, acc_sh,
                   sem):
        c = lax.axis_index("c")
        s = lax.axis_index("s")
        pltpu.sync_copy(ids_hbm.at[c, s], ids_v)
        pltpu.sync_copy(ones_hbm, ones_v)

        @pl.when(s < NS - 1)
        def _():
            pltpu.sync_copy(z_hbm.at[pl.ds(s * RPS, RPS)],
                            acc_sh.at[pl.ds(s * RPS, RPS)])

        @pl.when(s == NS - 1)
        def _():
            pltpu.sync_copy(z_hbm.at[pl.ds(TAIL0, TAILN)],
                            acc_sh.at[pl.ds(TAIL0, TAILN)])

        plsc.subcore_barrier()

        def body(j, carry):
            pltpu.sync_copy(ones_v, acc_sh.at[ids_v.at[j]], add=True)
            return carry

        lax.fori_loop(0, NCH2, body, 0)

        plsc.subcore_barrier()

        @pl.when(s < NS - 1)
        def _():
            pltpu.sync_copy(acc_sh.at[pl.ds(s * RPS, RPS)],
                            out_hbm.at[c, pl.ds(s * RPS, RPS)])

        @pl.when(s == NS - 1)
        def _():
            pltpu.sync_copy(acc_sh.at[pl.ds(TAIL0, TAILN)],
                            out_hbm.at[c, pl.ds(TAIL0, TAILN)])

    return deg_kernel(ids4, zrows, ones_rows)


def _sc_aggregate(table, src_c, dst_c, zrows):

    @functools.partial(
        pl.kernel,
        out_type=jax.ShapeDtypeStruct((NC, N, D_IN), jnp.float32),
        mesh=_sc_mesh(),
        scratch_types=[
            pltpu.VMEM((NCHA, CHA), jnp.int32),
            pltpu.VMEM((NCHA, CHA), jnp.int32),
            pltpu.VMEM((CHA, D_IN), jnp.float32),
            pltpu.VMEM_SHARED((N, D_IN), jnp.float32),
            pltpu.SemaphoreType.DMA,
        ],
    )
    def agg_kernel(tab_hbm, src_hbm, dst_hbm, z_hbm, out_hbm,
                   src_v, dst_v, rows_v, acc_sh, sem):
        c = lax.axis_index("c")
        s = lax.axis_index("s")
        wid = s * NC + c
        pltpu.sync_copy(src_hbm.at[wid], src_v)
        pltpu.sync_copy(dst_hbm.at[wid], dst_v)

        @pl.when(s < NS - 1)
        def _():
            pltpu.sync_copy(z_hbm.at[pl.ds(s * RPS, RPS)],
                            acc_sh.at[pl.ds(s * RPS, RPS)])

        @pl.when(s == NS - 1)
        def _():
            pltpu.sync_copy(z_hbm.at[pl.ds(TAIL0, TAILN)],
                            acc_sh.at[pl.ds(TAIL0, TAILN)])

        plsc.subcore_barrier()

        def body(j, carry):
            pltpu.async_copy(tab_hbm.at[src_v.at[j]], rows_v, sem).wait()
            pltpu.sync_copy(rows_v, acc_sh.at[dst_v.at[j]], add=True)
            return carry

        lax.fori_loop(0, NCHA, body, 0)

        plsc.subcore_barrier()

        @pl.when(s < NS - 1)
        def _():
            pltpu.sync_copy(acc_sh.at[pl.ds(s * RPS, RPS)],
                            out_hbm.at[c, pl.ds(s * RPS, RPS)])

        @pl.when(s == NS - 1)
        def _():
            pltpu.sync_copy(acc_sh.at[pl.ds(TAIL0, TAILN)],
                            out_hbm.at[c, pl.ds(TAIL0, TAILN)])

    return agg_kernel(table, src_c, dst_c, zrows)



def _tc_prep(deg_parts, x):

    def body(dp_ref, x_ref, h0_ref, norms_ref):
        deg = dp_ref[...][:, :, 0]
        norm = lax.rsqrt(jnp.maximum(deg, 1.0))
        norms_ref[...] = norm.T
        h0_ref[...] = x_ref[...] * norm[0][:, None]

    return pl.pallas_call(
        body,
        out_shape=[
            jax.ShapeDtypeStruct((N, D_IN), jnp.float32),
            jax.ShapeDtypeStruct((N, 2), jnp.float32),
        ],
    )(deg_parts, x)


def _tc_mlp(parts, norms, W1, b1, W2):
    BR = 1000

    def body(p_ref, n_ref, w1_ref, b1_ref, w2_ref, y_ref):
        a = p_ref[0] + p_ref[1]
        ns = n_ref[:, 0:1]
        nd = n_ref[:, 1:2]
        h1 = jnp.dot(a * nd, w1_ref[...], preferred_element_type=jnp.float32)
        h1 = jnp.maximum(h1 + b1_ref[...], 0.0)
        y_ref[...] = jnp.dot(h1 * ns, w2_ref[...],
                             preferred_element_type=jnp.float32)

    return pl.pallas_call(
        body,
        grid=(N // BR,),
        in_specs=[
            pl.BlockSpec((2, BR, D_IN), lambda i: (0, i, 0)),
            pl.BlockSpec((BR, 2), lambda i: (i, 0)),
            pl.BlockSpec((D_IN, H1), lambda i: (0, 0)),
            pl.BlockSpec((1, H1), lambda i: (0, 0)),
            pl.BlockSpec((H1, H2), lambda i: (0, 0)),
        ],
        out_specs=pl.BlockSpec((BR, H2), lambda i: (i, 0)),
        out_shape=jax.ShapeDtypeStruct((N, H2), jnp.float32),
    )(parts, norms, W1, b1.reshape(1, H1), W2)


def _tc_head(parts, norms, b2, W_reg, b_reg):

    def body(p_ref, n_ref, b2_ref, wr_ref, br_ref, h2_ref, pred_ref):
        a = p_ref[0] + p_ref[1]
        nd = n_ref[:, 1:2]
        h2 = jnp.maximum(a * nd + b2_ref[...], 0.0)
        h2_ref[...] = h2
        hg = lax.dot_general(jnp.full((1, N), 1.0 / N, jnp.float32), h2,
                             (((1,), (0,)), ((), ())),
                             preferred_element_type=jnp.float32)
        pred_ref[...] = jnp.dot(hg, wr_ref[...],
                                preferred_element_type=jnp.float32) + br_ref[...]

    return pl.pallas_call(
        body,
        out_shape=[
            jax.ShapeDtypeStruct((N, H2), jnp.float32),
            jax.ShapeDtypeStruct((1, 1), jnp.float32),
        ],
    )(parts, norms, b2.reshape(1, H2), W_reg, b_reg.reshape(1, 1))


def _tc_decoder(h2):
    B = 512
    G = pl.cdiv(N, B)

    def body(a_ref, b_ref, o_ref):
        prod = lax.dot_general(a_ref[...], b_ref[...],
                               (((1,), (1,)), ((), ())),
                               preferred_element_type=jnp.float32)
        o_ref[...] = 0.5 * jnp.tanh(0.5 * prod) + 0.5

    return pl.pallas_call(
        body,
        grid=(G, G),
        in_specs=[
            pl.BlockSpec((B, H2), lambda i, j: (i, 0)),
            pl.BlockSpec((B, H2), lambda i, j: (j, 0)),
        ],
        out_specs=pl.BlockSpec((B, B), lambda i, j: (i, j)),
        out_shape=jax.ShapeDtypeStruct((N, N), jnp.float32),
    )(h2, h2)



def kernel(x, edge_index, W1, b1, W2, b2, W_reg, b_reg):
    src = edge_index[0]
    dst = edge_index[1]
    src_c = src.reshape(NW, NCHA, CHA)
    dst_c = dst.reshape(NW, NCHA, CHA)
    ids4 = edge_index.reshape(2, NS, NCH2, CH)
    zrows = jnp.zeros((N, D_IN), jnp.float32)
    ones_rows = jnp.ones((CH, D_IN), jnp.float32)

    deg_parts = _sc_degrees(ids4, zrows, ones_rows)
    h0, norms = _tc_prep(deg_parts, x)
    agg1 = _sc_aggregate(h0, src_c, dst_c, zrows)
    y = _tc_mlp(agg1, norms, W1, b1, W2)
    agg2 = _sc_aggregate(y, src_c, dst_c, zrows)
    h2, pred = _tc_head(agg2, norms, b2, W_reg, b_reg)
    reconstructed = _tc_decoder(h2)
    return (reconstructed, pred)

# --- scband reference (transcript-rebuilt; emitter-appended) ---
"""Pipeline reference for scband-gae-73761768341680 (READ-ONLY COPY).

The authoritative reference and input builder live on the scoring server;
editing this copy changes nothing except your own understanding.
"""

import jax, jax.numpy as jnp
import numpy as np

N = 10000
E = 320000
D_IN = 128
H1 = 256
H2 = 128


def _graph_conv(x, src, dst, W, b):
    # DGL GraphConv with norm='both', allow_zero_in_degree=True, activation=relu
    n = x.shape[0]
    ones = jnp.ones((src.shape[0],), dtype=x.dtype)
    deg_out = jnp.zeros((n,), dtype=x.dtype).at[src].add(ones)
    deg_in = jnp.zeros((n,), dtype=x.dtype).at[dst].add(ones)
    norm_src = jax.lax.rsqrt(jnp.maximum(deg_out, 1.0))
    norm_dst = jax.lax.rsqrt(jnp.maximum(deg_in, 1.0))
    h = x * norm_src[:, None]
    msgs = h[src]
    agg = jnp.zeros((n, x.shape[1]), dtype=x.dtype).at[dst].add(msgs)
    agg = agg * norm_dst[:, None]
    return jax.nn.relu(agg @ W + b)


def setup_inputs(seed: int = 0) -> dict:
    key = jax.random.key(seed)
    ks = jax.random.split(key, 8)
    x = jax.random.normal(ks[0], (N, D_IN), dtype=jnp.float32)
    edge_index = jax.random.randint(ks[1], (2, E), 0, N, dtype=jnp.int32)
    W1 = jax.random.normal(ks[2], (D_IN, H1), dtype=jnp.float32) * (1.0 / np.sqrt(D_IN))
    b1 = jnp.zeros((H1,), dtype=jnp.float32)
    W2 = jax.random.normal(ks[3], (H1, H2), dtype=jnp.float32) * (1.0 / np.sqrt(H1))
    b2 = jnp.zeros((H2,), dtype=jnp.float32)
    W_reg = jax.random.normal(ks[4], (H2, 1), dtype=jnp.float32) * (1.0 / np.sqrt(H2))
    b_reg = jnp.zeros((1,), dtype=jnp.float32)
    return {"x": x, "edge_index": edge_index, "W1": W1, "b1": b1, "W2": W2, "b2": b2, "W_reg": W_reg, "b_reg": b_reg}


def reference(x, edge_index, W1, b1, W2, b2, W_reg, b_reg):
    src = edge_index[0]
    dst = edge_index[1]
    h = _graph_conv(x, src, dst, W1, b1)
    h = _graph_conv(h, src, dst, W2, b2)
    # dgl.mean_nodes over a single graph == mean over node axis
    h_global = jnp.mean(h, axis=0, keepdims=True)
    # InnerProductDecoder (dropout is identity in eval mode)
    reconstructed = jax.nn.sigmoid(h @ h.T)
    pred = h_global @ W_reg + b_reg
    return (reconstructed, pred)

if __name__ == "__main__":
    import jax
    _d = setup_inputs()
    print(jax.jit(kernel)(*tuple(_d.values())))

</pallas_src>

<mosaic_0001>
#map = affine_map<(d0, d1) -> (0, 0)>
#map1 = affine_map<(d0, d1) -> (0, 0, 0)>
module attributes {stable_mosaic.version = 14 : i64} {
  func.func @agg_kernel(%arg0: i32, %arg1: i32, %arg2: memref<10000x128xf32, #tpu.memory_space<hbm>>, %arg3: memref<32x125x80xi32, #tpu.memory_space<hbm>>, %arg4: memref<32x125x80xi32, #tpu.memory_space<hbm>>, %arg5: memref<10000x128xf32, #tpu.memory_space<hbm>>, %arg6: memref<2x10000x128xf32, #tpu.memory_space<hbm>>, %arg7: memref<125x80xi32, #tpu.memory_space<vmem>>, %arg8: memref<125x80xi32, #tpu.memory_space<vmem>>, %arg9: memref<80x128xf32, #tpu.memory_space<vmem>>, %arg10: memref<10000x128xf32, #tpu.memory_space<vmem_shared>>, %arg11: memref<!tpu.dma_semaphore, #tpu.memory_space<semaphore_mem>>) attributes {dimension_semantics = [#tpu.dimension_semantics<core_parallel>, #tpu.dimension_semantics<subcore_parallel>], iteration_bounds = array<i64: 2, 16>, scalar_prefetch = 0 : i64, scratch_operands = 5 : i64, tpu.core_type = #tpu.core_type<sc_vector_subcore>, window_params = [{transform_indices = #map}, {transform_indices = #map1}, {transform_indices = #map1}, {transform_indices = #map}, {transform_indices = #map1}]} {
    %mul3A = arith.constant 2 : i32
    %mul3A_0 = arith.muli %arg1, %mul3A : i32
    %add3A = arith.addi %mul3A_0, %arg0 : i32
    "tpu.region"() ({
      %run_scoped3A = tpu.sem_alloc : memref<!tpu.dma_semaphore, #tpu.memory_space<semaphore_mem>>
      %dma_start3A = arith.constant 0 : i32
      %dma_start3A_23 = arith.constant 0 : i32
      %dma_start3A_24 = tpu.memref_slice %arg3[%add3A, %dma_start3A, %dma_start3A_23] : memref<32x125x80xi32, #tpu.memory_space<hbm>> -> memref<1x125x80xi32, #tpu.memory_space<hbm>>
      %dma_start3A_25 = tpu.memref_squeeze %dma_start3A_24 : memref<1x125x80xi32, #tpu.memory_space<hbm>> -> memref<125x80xi32, #tpu.memory_space<hbm>>
      %dma_start3A_26 = arith.constant 0 : i32
      %dma_start3A_27 = arith.constant 0 : i32
      %dma_start3A_28 = tpu.memref_slice %arg3[%add3A, %dma_start3A_26, %dma_start3A_27] : memref<32x125x80xi32, #tpu.memory_space<hbm>> -> memref<1x125x80xi32, #tpu.memory_space<hbm>>
      %dma_start3A_29 = tpu.memref_squeeze %dma_start3A_28 : memref<1x125x80xi32, #tpu.memory_space<hbm>> -> memref<125x80xi32, #tpu.memory_space<hbm>>
      tpu.enqueue_dma source(%dma_start3A_29 : memref<125x80xi32, #tpu.memory_space<hbm>>) target(%arg7 : memref<125x80xi32, #tpu.memory_space<vmem>>) target_semaphore(%run_scoped3A : memref<!tpu.dma_semaphore, #tpu.memory_space<semaphore_mem>>)
      %dma_wait3A = arith.constant 0 : i32
      %dma_wait3A_30 = arith.constant 0 : i32
      %dma_wait3A_31 = tpu.memref_slice %arg3[%add3A, %dma_wait3A, %dma_wait3A_30] : memref<32x125x80xi32, #tpu.memory_space<hbm>> -> memref<1x125x80xi32, #tpu.memory_space<hbm>>
      %dma_wait3A_32 = tpu.memref_squeeze %dma_wait3A_31 : memref<1x125x80xi32, #tpu.memory_space<hbm>> -> memref<125x80xi32, #tpu.memory_space<hbm>>
      %dma_wait3A_33 = arith.constant 0 : i32
      %dma_wait3A_34 = arith.constant 0 : i32
      %dma_wait3A_35 = tpu.memref_slice %arg3[%add3A, %dma_wait3A_33, %dma_wait3A_34] : memref<32x125x80xi32, #tpu.memory_space<hbm>> -> memref<1x125x80xi32, #tpu.memory_space<hbm>>
      %dma_wait3A_36 = tpu.memref_squeeze %dma_wait3A_35 : memref<1x125x80xi32, #tpu.memory_space<hbm>> -> memref<125x80xi32, #tpu.memory_space<hbm>>
      tpu.wait_dma2 semaphore(%run_scoped3A : memref<!tpu.dma_semaphore, #tpu.memory_space<semaphore_mem>>) src(%dma_wait3A_36 : memref<125x80xi32, #tpu.memory_space<hbm>>) dst(%arg7 : memref<125x80xi32, #tpu.memory_space<vmem>>)
      tpu.yield
    }) : () -> ()
    "tpu.region"() ({
      %run_scoped3A = tpu.sem_alloc : memref<!tpu.dma_semaphore, #tpu.memory_space<semaphore_mem>>
      %dma_start3A = arith.constant 0 : i32
      %dma_start3A_23 = arith.constant 0 : i32
      %dma_start3A_24 = tpu.memref_slice %arg4[%add3A, %dma_start3A, %dma_start3A_23] : memref<32x125x80xi32, #tpu.memory_space<hbm>> -> memref<1x125x80xi32, #tpu.memory_space<hbm>>
      %dma_start3A_25 = tpu.memref_squeeze %dma_start3A_24 : memref<1x125x80xi32, #tpu.memory_space<hbm>> -> memref<125x80xi32, #tpu.memory_space<hbm>>
      %dma_start3A_26 = arith.constant 0 : i32
      %dma_start3A_27 = arith.constant 0 : i32
      %dma_start3A_28 = tpu.memref_slice %arg4[%add3A, %dma_start3A_26, %dma_start3A_27] : memref<32x125x80xi32, #tpu.memory_space<hbm>> -> memref<1x125x80xi32, #tpu.memory_space<hbm>>
      %dma_start3A_29 = tpu.memref_squeeze %dma_start3A_28 : memref<1x125x80xi32, #tpu.memory_space<hbm>> -> memref<125x80xi32, #tpu.memory_space<hbm>>
      tpu.enqueue_dma source(%dma_start3A_29 : memref<125x80xi32, #tpu.memory_space<hbm>>) target(%arg8 : memref<125x80xi32, #tpu.memory_space<vmem>>) target_semaphore(%run_scoped3A : memref<!tpu.dma_semaphore, #tpu.memory_space<semaphore_mem>>)
      %dma_wait3A = arith.constant 0 : i32
      %dma_wait3A_30 = arith.constant 0 : i32
      %dma_wait3A_31 = tpu.memref_slice %arg4[%add3A, %dma_wait3A, %dma_wait3A_30] : memref<32x125x80xi32, #tpu.memory_space<hbm>> -> memref<1x125x80xi32, #tpu.memory_space<hbm>>
      %dma_wait3A_32 = tpu.memref_squeeze %dma_wait3A_31 : memref<1x125x80xi32, #tpu.memory_space<hbm>> -> memref<125x80xi32, #tpu.memory_space<hbm>>
      %dma_wait3A_33 = arith.constant 0 : i32
      %dma_wait3A_34 = arith.constant 0 : i32
      %dma_wait3A_35 = tpu.memref_slice %arg4[%add3A, %dma_wait3A_33, %dma_wait3A_34] : memref<32x125x80xi32, #tpu.memory_space<hbm>> -> memref<1x125x80xi32, #tpu.memory_space<hbm>>
      %dma_wait3A_36 = tpu.memref_squeeze %dma_wait3A_35 : memref<1x125x80xi32, #tpu.memory_space<hbm>> -> memref<125x80xi32, #tpu.memory_space<hbm>>
      tpu.wait_dma2 semaphore(%run_scoped3A : memref<!tpu.dma_semaphore, #tpu.memory_space<semaphore_mem>>) src(%dma_wait3A_36 : memref<125x80xi32, #tpu.memory_space<hbm>>) dst(%arg8 : memref<125x80xi32, #tpu.memory_space<vmem>>)
      tpu.yield
    }) : () -> ()
    %lt3A = arith.constant 15 : i32
    %lt3A_1 = arith.cmpi slt, %arg1, %lt3A : i32
    %convert_element_type3A = arith.extui %lt3A_1 : i1 to i32
    %cond3A = arith.constant 0 : i32
    %cond3A_2 = arith.cmpi ne, %convert_element_type3A, %cond3A : i32
    scf.if %cond3A_2 {
      %mul3A_23 = arith.constant 624 : i32
      %mul3A_24 = arith.muli %arg1, %mul3A_23 : i32
      %mul3A_25 = arith.constant 624 : i32
      %mul3A_26 = arith.muli %arg1, %mul3A_25 : i32
      "tpu.region"() ({
        %run_scoped3A = tpu.sem_alloc : memref<!tpu.dma_semaphore, #tpu.memory_space<semaphore_mem>>
        %dma_start3A = arith.constant 0 : i32
        %dma_start3A_27 = tpu.memref_slice %arg10[%mul3A_26, %dma_start3A] : memref<10000x128xf32, #tpu.memory_space<vmem_shared>> -> memref<624x128xf32, #tpu.memory_space<vmem_shared>>
        %dma_start3A_28 = arith.constant 0 : i32
        %dma_start3A_29 = tpu.memref_slice %arg5[%mul3A_24, %dma_start3A_28] : memref<10000x128xf32, #tpu.memory_space<hbm>> -> memref<624x128xf32, #tpu.memory_space<hbm>>
        tpu.enqueue_dma source(%dma_start3A_29 : memref<624x128xf32, #tpu.memory_space<hbm>>) target(%dma_start3A_27 : memref<624x128xf32, #tpu.memory_space<vmem_shared>>) target_semaphore(%run_scoped3A : memref<!tpu.dma_semaphore, #tpu.memory_space<semaphore_mem>>)
        %dma_wait3A = arith.constant 0 : i32
        %dma_wait3A_30 = tpu.memref_slice %arg10[%mul3A_26, %dma_wait3A] : memref<10000x128xf32, #tpu.memory_space<vmem_shared>> -> memref<624x128xf32, #tpu.memory_space<vmem_shared>>
        %dma_wait3A_31 = arith.constant 0 : i32
        %dma_wait3A_32 = tpu.memref_slice %arg5[%mul3A_24, %dma_wait3A_31] : memref<10000x128xf32, #tpu.memory_space<hbm>> -> memref<624x128xf32, #tpu.memory_space<hbm>>
        tpu.wait_dma2 semaphore(%run_scoped3A : memref<!tpu.dma_semaphore, #tpu.memory_space<semaphore_mem>>) src(%dma_wait3A_32 : memref<624x128xf32, #tpu.memory_space<hbm>>) dst(%dma_wait3A_30 : memref<624x128xf32, #tpu.memory_space<vmem_shared>>)
        tpu.yield
      }) : () -> ()
    } else {
    }
    %eq3A = arith.constant 15 : i32
    %eq3A_3 = arith.cmpi eq, %arg1, %eq3A : i32
    %convert_element_type3A_4 = arith.extui %eq3A_3 : i1 to i32
    %cond3A_5 = arith.constant 0 : i32
    %cond3A_6 = arith.cmpi ne, %convert_element_type3A_4, %cond3A_5 : i32
    scf.if %cond3A_6 {
      "tpu.region"() ({
        %run_scoped3A = tpu.sem_alloc : memref<!tpu.dma_semaphore, #tpu.memory_space<semaphore_mem>>
        %dma_start3A = arith.constant 9360 : i32
        %dma_start3A_23 = arith.constant 0 : i32
        %dma_start3A_24 = tpu.memref_slice %arg10[%dma_start3A, %dma_start3A_23] : memref<10000x128xf32, #tpu.memory_space<vmem_shared>> -> memref<640x128xf32, #tpu.memory_space<vmem_shared>>
        %dma_start3A_25 = arith.constant 9360 : i32
        %dma_start3A_26 = arith.constant 0 : i32
        %dma_start3A_27 = tpu.memref_slice %arg5[%dma_start3A_25, %dma_start3A_26] : memref<10000x128xf32, #tpu.memory_space<hbm>> -> memref<640x128xf32, #tpu.memory_space<hbm>>
        tpu.enqueue_dma source(%dma_start3A_27 : memref<640x128xf32, #tpu.memory_space<hbm>>) target(%dma_start3A_24 : memref<640x128xf32, #tpu.memory_space<vmem_shared>>) target_semaphore(%run_scoped3A : memref<!tpu.dma_semaphore, #tpu.memory_space<semaphore_mem>>)
        %dma_wait3A = arith.constant 9360 : i32
        %dma_wait3A_28 = arith.constant 0 : i32
        %dma_wait3A_29 = tpu.memref_slice %arg10[%dma_wait3A, %dma_wait3A_28] : memref<10000x128xf32, #tpu.memory_space<vmem_shared>> -> memref<640x128xf32, #tpu.memory_space<vmem_shared>>
        %dma_wait3A_30 = arith.constant 9360 : i32
        %dma_wait3A_31 = arith.constant 0 : i32
        %dma_wait3A_32 = tpu.memref_slice %arg5[%dma_wait3A_30, %dma_wait3A_31] : memref<10000x128xf32, #tpu.memory_space<hbm>> -> memref<640x128xf32, #tpu.memory_space<hbm>>
        tpu.wait_dma2 semaphore(%run_scoped3A : memref<!tpu.dma_semaphore, #tpu.memory_space<semaphore_mem>>) src(%dma_wait3A_32 : memref<640x128xf32, #tpu.memory_space<hbm>>) dst(%dma_wait3A_29 : memref<640x128xf32, #tpu.memory_space<vmem_shared>>)
        tpu.yield
      }) : () -> ()
    } else {
    }
    %barrier3A = arith.constant 0 : index
    tpu.barrier barrier_id(%barrier3A)
    %scan3A = arith.constant 0 : i32
    %scan3A_7 = arith.constant 0 : i32
    %scan3A_8 = arith.constant 125 : i32
    %scan3A_9 = arith.addi %scan3A_7, %scan3A_8 : i32
    %scan3A_10 = arith.constant 1 : i32
    scf.for %scan3A_23 = %scan3A_7 to %scan3A_9 step %scan3A_10  : i32 {
      %dma_start3A = arith.constant 0 : i32
      %dma_start3A_24 = tpu.memref_slice %arg7[%scan3A_23, %dma_start3A] : memref<125x80xi32, #tpu.memory_space<vmem>> -> memref<1x80xi32, #tpu.memory_space<vmem>>
      %dma_start3A_25 = tpu.memref_squeeze %dma_start3A_24 : memref<1x80xi32, #tpu.memory_space<vmem>> -> memref<80xi32, #tpu.memory_space<vmem>>
      %dma_start3A_26 = arith.constant 0 : i32
      %dma_start3A_27 = arith.constant 0 : i32
      %dma_start3A_28 = tpu.memref_slice %arg2[%dma_start3A_26, %dma_start3A_27] : memref<10000x128xf32, #tpu.memory_space<hbm>> -> memref<10000x128xf32, #tpu.memory_space<hbm>>
      tpu.enqueue_indirect_dma source(%dma_start3A_28 : memref<10000x128xf32, #tpu.memory_space<hbm>>) target(%arg9 : memref<80x128xf32, #tpu.memory_space<vmem>>) offsets(%dma_start3A_25 : memref<80xi32, #tpu.memory_space<vmem>>) semaphore(%arg11 : memref<!tpu.dma_semaphore, #tpu.memory_space<semaphore_mem>>)
      %dma_wait3A = arith.constant 0 : i32
      %dma_wait3A_29 = tpu.memref_slice %arg7[%scan3A_23, %dma_wait3A] : memref<125x80xi32, #tpu.memory_space<vmem>> -> memref<1x80xi32, #tpu.memory_space<vmem>>
      %dma_wait3A_30 = tpu.memref_squeeze %dma_wait3A_29 : memref<1x80xi32, #tpu.memory_space<vmem>> -> memref<80xi32, #tpu.memory_space<vmem>>
      %dma_wait3A_31 = arith.constant 0 : i32
      %dma_wait3A_32 = arith.constant 0 : i32
      %dma_wait3A_33 = tpu.memref_slice %arg2[%dma_wait3A_31, %dma_wait3A_32] : memref<10000x128xf32, #tpu.memory_space<hbm>> -> memref<10000x128xf32, #tpu.memory_space<hbm>>
      tpu.wait_indirect_dma semaphore(%arg11 : memref<!tpu.dma_semaphore, #tpu.memory_space<semaphore_mem>>) src(%dma_wait3A_33 : memref<10000x128xf32, #tpu.memory_space<hbm>>) dst(%arg9 : memref<80x128xf32, #tpu.memory_space<vmem>>)
      "tpu.region"() ({
        %run_scoped3A = tpu.sem_alloc : memref<!tpu.dma_semaphore, #tpu.memory_space<semaphore_mem>>
        %dma_start3A_34 = arith.constant 0 : i32
        %dma_start3A_35 = tpu.memref_slice %arg8[%scan3A_23, %dma_start3A_34] : memref<125x80xi32, #tpu.memory_space<vmem>> -> memref<1x80xi32, #tpu.memory_space<vmem>>
        %dma_start3A_36 = tpu.memref_squeeze %dma_start3A_35 : memref<1x80xi32, #tpu.memory_space<vmem>> -> memref<80xi32, #tpu.memory_space<vmem>>
        %dma_start3A_37 = arith.constant 0 : i32
        %dma_start3A_38 = arith.constant 0 : i32
        %dma_start3A_39 = tpu.memref_slice %arg10[%dma_start3A_37, %dma_start3A_38] : memref<10000x128xf32, #tpu.memory_space<vmem_shared>> -> memref<10000x128xf32, #tpu.memory_space<vmem_shared>>
        tpu.enqueue_indirect_dma source(%arg9 : memref<80x128xf32, #tpu.memory_space<vmem>>) target(%dma_start3A_39 : memref<10000x128xf32, #tpu.memory_space<vmem_shared>>) offsets(%dma_start3A_36 : memref<80xi32, #tpu.memory_space<vmem>>) semaphore(%run_scoped3A : memref<!tpu.dma_semaphore, #tpu.memory_space<semaphore_mem>>) {add = true}
        %dma_wait3A_40 = arith.constant 0 : i32
        %dma_wait3A_41 = tpu.memref_slice %arg8[%scan3A_23, %dma_wait3A_40] : memref<125x80xi32, #tpu.memory_space<vmem>> -> memref<1x80xi32, #tpu.memory_space<vmem>>
        %dma_wait3A_42 = tpu.memref_squeeze %dma_wait3A_41 : memref<1x80xi32, #tpu.memory_space<vmem>> -> memref<80xi32, #tpu.memory_space<vmem>>
        %dma_wait3A_43 = arith.constant 0 : i32
        %dma_wait3A_44 = arith.constant 0 : i32
        %dma_wait3A_45 = tpu.memref_slice %arg10[%dma_wait3A_43, %dma_wait3A_44] : memref<10000x128xf32, #tpu.memory_space<vmem_shared>> -> memref<10000x128xf32, #tpu.memory_space<vmem_shared>>
        tpu.wait_indirect_dma semaphore(%run_scoped3A : memref<!tpu.dma_semaphore, #tpu.memory_space<semaphore_mem>>) src(%arg9 : memref<80x128xf32, #tpu.memory_space<vmem>>) dst(%dma_wait3A_45 : memref<10000x128xf32, #tpu.memory_space<vmem_shared>>)
        tpu.yield
      }) : () -> ()
    }
    %scan3A_11 = arith.constant 125 : i32
    %barrier3A_12 = arith.constant 0 : index
    tpu.barrier barrier_id(%barrier3A_12)
    %lt3A_13 = arith.constant 15 : i32
    %lt3A_14 = arith.cmpi slt, %arg1, %lt3A_13 : i32
    %convert_element_type3A_15 = arith.extui %lt3A_14 : i1 to i32
    %cond3A_16 = arith.constant 0 : i32
    %cond3A_17 = arith.cmpi ne, %convert_element_type3A_15, %cond3A_16 : i32
    scf.if %cond3A_17 {
      %mul3A_23 = arith.constant 624 : i32
      %mul3A_24 = arith.muli %arg1, %mul3A_23 : i32
      %mul3A_25 = arith.constant 624 : i32
      %mul3A_26 = arith.muli %arg1, %mul3A_25 : i32
      "tpu.region"() ({
        %run_scoped3A = tpu.sem_alloc : memref<!tpu.dma_semaphore, #tpu.memory_space<semaphore_mem>>
        %dma_start3A = arith.constant 0 : i32
        %dma_start3A_27 = tpu.memref_slice %arg6[%arg0, %mul3A_26, %dma_start3A] : memref<2x10000x128xf32, #tpu.memory_space<hbm>> -> memref<1x624x128xf32, #tpu.memory_space<hbm>>
        %dma_start3A_28 = tpu.memref_squeeze %dma_start3A_27 : memref<1x624x128xf32, #tpu.memory_space<hbm>> -> memref<624x128xf32, #tpu.memory_space<hbm>>
        %dma_start3A_29 = arith.constant 0 : i32
        %dma_start3A_30 = tpu.memref_slice %arg10[%mul3A_24, %dma_start3A_29] : memref<10000x128xf32, #tpu.memory_space<vmem_shared>> -> memref<624x128xf32, #tpu.memory_space<vmem_shared>>
        tpu.enqueue_dma source(%dma_start3A_30 : memref<624x128xf32, #tpu.memory_space<vmem_shared>>) target(%dma_start3A_28 : memref<624x128xf32, #tpu.memory_space<hbm>>) target_semaphore(%run_scoped3A : memref<!tpu.dma_semaphore, #tpu.memory_space<semaphore_mem>>)
        %dma_wait3A = arith.constant 0 : i32
        %dma_wait3A_31 = tpu.memref_slice %arg6[%arg0, %mul3A_26, %dma_wait3A] : memref<2x10000x128xf32, #tpu.memory_space<hbm>> -> memref<1x624x128xf32, #tpu.memory_space<hbm>>
        %dma_wait3A_32 = tpu.memref_squeeze %dma_wait3A_31 : memref<1x624x128xf32, #tpu.memory_space<hbm>> -> memref<624x128xf32, #tpu.memory_space<hbm>>
        %dma_wait3A_33 = arith.constant 0 : i32
        %dma_wait3A_34 = tpu.memref_slice %arg10[%mul3A_24, %dma_wait3A_33] : memref<10000x128xf32, #tpu.memory_space<vmem_shared>> -> memref<624x128xf32, #tpu.memory_space<vmem_shared>>
        tpu.wait_dma2 semaphore(%run_scoped3A : memref<!tpu.dma_semaphore, #tpu.memory_space<semaphore_mem>>) src(%dma_wait3A_34 : memref<624x128xf32, #tpu.memory_space<vmem_shared>>) dst(%dma_wait3A_32 : memref<624x128xf32, #tpu.memory_space<hbm>>)
        tpu.yield
      }) : () -> ()
    } else {
    }
    %eq3A_18 = arith.constant 15 : i32
    %eq3A_19 = arith.cmpi eq, %arg1, %eq3A_18 : i32
    %convert_element_type3A_20 = arith.extui %eq3A_19 : i1 to i32
    %cond3A_21 = arith.constant 0 : i32
    %cond3A_22 = arith.cmpi ne, %convert_element_type3A_20, %cond3A_21 : i32
    scf.if %cond3A_22 {
      "tpu.region"() ({
        %run_scoped3A = tpu.sem_alloc : memref<!tpu.dma_semaphore, #tpu.memory_space<semaphore_mem>>
        %dma_start3A = arith.constant 9360 : i32
        %dma_start3A_23 = arith.constant 0 : i32
        %dma_start3A_24 = tpu.memref_slice %arg6[%arg0, %dma_start3A, %dma_start3A_23] : memref<2x10000x128xf32, #tpu.memory_space<hbm>> -> memref<1x640x128xf32, #tpu.memory_space<hbm>>
        %dma_start3A_25 = tpu.memref_squeeze %dma_start3A_24 : memref<1x640x128xf32, #tpu.memory_space<hbm>> -> memref<640x128xf32, #tpu.memory_space<hbm>>
        %dma_start3A_26 = arith.constant 9360 : i32
        %dma_start3A_27 = arith.constant 0 : i32
        %dma_start3A_28 = tpu.memref_slice %arg10[%dma_start3A_26, %dma_start3A_27] : memref<10000x128xf32, #tpu.memory_space<vmem_shared>> -> memref<640x128xf32, #tpu.memory_space<vmem_shared>>
        tpu.enqueue_dma source(%dma_start3A_28 : memref<640x128xf32, #tpu.memory_space<vmem_shared>>) target(%dma_start3A_25 : memref<640x128xf32, #tpu.memory_space<hbm>>) target_semaphore(%run_scoped3A : memref<!tpu.dma_semaphore, #tpu.memory_space<semaphore_mem>>)
        %dma_wait3A = arith.constant 9360 : i32
        %dma_wait3A_29 = arith.constant 0 : i32
        %dma_wait3A_30 = tpu.memref_slice %arg6[%arg0, %dma_wait3A, %dma_wait3A_29] : memref<2x10000x128xf32, #tpu.memory_space<hbm>> -> memref<1x640x128xf32, #tpu.memory_space<hbm>>
        %dma_wait3A_31 = tpu.memref_squeeze %dma_wait3A_30 : memref<1x640x128xf32, #tpu.memory_space<hbm>> -> memref<640x128xf32, #tpu.memory_space<hbm>>
        %dma_wait3A_32 = arith.constant 9360 : i32
        %dma_wait3A_33 = arith.constant 0 : i32
        %dma_wait3A_34 = tpu.memref_slice %arg10[%dma_wait3A_32, %dma_wait3A_33] : memref<10000x128xf32, #tpu.memory_space<vmem_shared>> -> memref<640x128xf32, #tpu.memory_space<vmem_shared>>
        tpu.wait_dma2 semaphore(%run_scoped3A : memref<!tpu.dma_semaphore, #tpu.memory_space<semaphore_mem>>) src(%dma_wait3A_34 : memref<640x128xf32, #tpu.memory_space<vmem_shared>>) dst(%dma_wait3A_31 : memref<640x128xf32, #tpu.memory_space<hbm>>)
        tpu.yield
      }) : () -> ()
    } else {
    }
    return
  }
}

#map = affine_map<(d0, d1) -> (0, 0, 0, 0)>
#map1 = affine_map<(d0, d1) -> (0, 0)>
#map2 = affine_map<(d0, d1) -> (0, 0, 0)>
module attributes {stable_mosaic.version = 14 : i64} {
  func.func @deg_kernel(%arg0: i32, %arg1: i32, %arg2: memref<2x16x250x80xi32, #tpu.memory_space<hbm>>, %arg3: memref<10000x128xf32, #tpu.memory_space<hbm>>, %arg4: memref<80x128xf32, #tpu.memory_space<hbm>>, %arg5: memref<2x10000x128xf32, #tpu.memory_space<hbm>>, %arg6: memref<250x80xi32, #tpu.memory_space<vmem>>, %arg7: memref<80x128xf32, #tpu.memory_space<vmem>>, %arg8: memref<10000x128xf32, #tpu.memory_space<vmem_shared>>, %arg9: memref<!tpu.dma_semaphore, #tpu.memory_space<semaphore_mem>>) attributes {dimension_semantics = [#tpu.dimension_semantics<core_parallel>, #tpu.dimension_semantics<subcore_parallel>], iteration_bounds = array<i64: 2, 16>, scalar_prefetch = 0 : i64, scratch_operands = 4 : i64, tpu.core_type = #tpu.core_type<sc_vector_subcore>, window_params = [{transform_indices = #map}, {transform_indices = #map1}, {transform_indices = #map1}, {transform_indices = #map2}]} {
    "tpu.region"() ({
      %run_scoped3A = tpu.sem_alloc : memref<!tpu.dma_semaphore, #tpu.memory_space<semaphore_mem>>
      %dma_start3A = arith.constant 0 : i32
      %dma_start3A_22 = arith.constant 0 : i32
      %dma_start3A_23 = tpu.memref_slice %arg2[%arg0, %arg1, %dma_start3A, %dma_start3A_22] : memref<2x16x250x80xi32, #tpu.memory_space<hbm>> -> memref<1x1x250x80xi32, #tpu.memory_space<hbm>>
      %dma_start3A_24 = tpu.memref_squeeze %dma_start3A_23 : memref<1x1x250x80xi32, #tpu.memory_space<hbm>> -> memref<250x80xi32, #tpu.memory_space<hbm>>
      %dma_start3A_25 = arith.constant 0 : i32
      %dma_start3A_26 = arith.constant 0 : i32
      %dma_start3A_27 = tpu.memref_slice %arg2[%arg0, %arg1, %dma_start3A_25, %dma_start3A_26] : memref<2x16x250x80xi32, #tpu.memory_space<hbm>> -> memref<1x1x250x80xi32, #tpu.memory_space<hbm>>
      %dma_start3A_28 = tpu.memref_squeeze %dma_start3A_27 : memref<1x1x250x80xi32, #tpu.memory_space<hbm>> -> memref<250x80xi32, #tpu.memory_space<hbm>>
      tpu.enqueue_dma source(%dma_start3A_28 : memref<250x80xi32, #tpu.memory_space<hbm>>) target(%arg6 : memref<250x80xi32, #tpu.memory_space<vmem>>) target_semaphore(%run_scoped3A : memref<!tpu.dma_semaphore, #tpu.memory_space<semaphore_mem>>)
      %dma_wait3A = arith.constant 0 : i32
      %dma_wait3A_29 = arith.constant 0 : i32
      %dma_wait3A_30 = tpu.memref_slice %arg2[%arg0, %arg1, %dma_wait3A, %dma_wait3A_29] : memref<2x16x250x80xi32, #tpu.memory_space<hbm>> -> memref<1x1x250x80xi32, #tpu.memory_space<hbm>>
      %dma_wait3A_31 = tpu.memref_squeeze %dma_wait3A_30 : memref<1x1x250x80xi32, #tpu.memory_space<hbm>> -> memref<250x80xi32, #tpu.memory_space<hbm>>
      %dma_wait3A_32 = arith.constant 0 : i32
      %dma_wait3A_33 = arith.constant 0 : i32
      %dma_wait3A_34 = tpu.memref_slice %arg2[%arg0, %arg1, %dma_wait3A_32, %dma_wait3A_33] : memref<2x16x250x80xi32, #tpu.memory_space<hbm>> -> memref<1x1x250x80xi32, #tpu.memory_space<hbm>>
      %dma_wait3A_35 = tpu.memref_squeeze %dma_wait3A_34 : memref<1x1x250x80xi32, #tpu.memory_space<hbm>> -> memref<250x80xi32, #tpu.memory_space<hbm>>
      tpu.wait_dma2 semaphore(%run_scoped3A : memref<!tpu.dma_semaphore, #tpu.memory_space<semaphore_mem>>) src(%dma_wait3A_35 : memref<250x80xi32, #tpu.memory_space<hbm>>) dst(%arg6 : memref<250x80xi32, #tpu.memory_space<vmem>>)
      tpu.yield
    }) : () -> ()
    "tpu.region"() ({
      %run_scoped3A = tpu.sem_alloc : memref<!tpu.dma_semaphore, #tpu.memory_space<semaphore_mem>>
      tpu.enqueue_dma source(%arg4 : memref<80x128xf32, #tpu.memory_space<hbm>>) target(%arg7 : memref<80x128xf32, #tpu.memory_space<vmem>>) target_semaphore(%run_scoped3A : memref<!tpu.dma_semaphore, #tpu.memory_space<semaphore_mem>>)
      tpu.wait_dma2 semaphore(%run_scoped3A : memref<!tpu.dma_semaphore, #tpu.memory_space<semaphore_mem>>) src(%arg4 : memref<80x128xf32, #tpu.memory_space<hbm>>) dst(%arg7 : memref<80x128xf32, #tpu.memory_space<vmem>>)
      tpu.yield
    }) : () -> ()
    %lt3A = arith.constant 15 : i32
    %lt3A_0 = arith.cmpi slt, %arg1, %lt3A : i32
    %convert_element_type3A = arith.extui %lt3A_0 : i1 to i32
    %cond3A = arith.constant 0 : i32
    %cond3A_1 = arith.cmpi ne, %convert_element_type3A, %cond3A : i32
    scf.if %cond3A_1 {
      %mul3A = arith.constant 624 : i32
      %mul3A_22 = arith.muli %arg1, %mul3A : i32
      %mul3A_23 = arith.constant 624 : i32
      %mul3A_24 = arith.muli %arg1, %mul3A_23 : i32
      "tpu.region"() ({
        %run_scoped3A = tpu.sem_alloc : memref<!tpu.dma_semaphore, #tpu.memory_space<semaphore_mem>>
        %dma_start3A = arith.constant 0 : i32
        %dma_start3A_25 = tpu.memref_slice %arg8[%mul3A_24, %dma_start3A] : memref<10000x128xf32, #tpu.memory_space<vmem_shared>> -> memref<624x128xf32, #tpu.memory_space<vmem_shared>>
        %dma_start3A_26 = arith.constant 0 : i32
        %dma_start3A_27 = tpu.memref_slice %arg3[%mul3A_22, %dma_start3A_26] : memref<10000x128xf32, #tpu.memory_space<hbm>> -> memref<624x128xf32, #tpu.memory_space<hbm>>
        tpu.enqueue_dma source(%dma_start3A_27 : memref<624x128xf32, #tpu.memory_space<hbm>>) target(%dma_start3A_25 : memref<624x128xf32, #tpu.memory_space<vmem_shared>>) target_semaphore(%run_scoped3A : memref<!tpu.dma_semaphore, #tpu.memory_space<semaphore_mem>>)
        %dma_wait3A = arith.constant 0 : i32
        %dma_wait3A_28 = tpu.memref_slice %arg8[%mul3A_24, %dma_wait3A] : memref<10000x128xf32, #tpu.memory_space<vmem_shared>> -> memref<624x128xf32, #tpu.memory_space<vmem_shared>>
        %dma_wait3A_29 = arith.constant 0 : i32
        %dma_wait3A_30 = tpu.memref_slice %arg3[%mul3A_22, %dma_wait3A_29] : memref<10000x128xf32, #tpu.memory_space<hbm>> -> memref<624x128xf32, #tpu.memory_space<hbm>>
        tpu.wait_dma2 semaphore(%run_scoped3A : memref<!tpu.dma_semaphore, #tpu.memory_space<semaphore_mem>>) src(%dma_wait3A_30 : memref<624x128xf32, #tpu.memory_space<hbm>>) dst(%dma_wait3A_28 : memref<624x128xf32, #tpu.memory_space<vmem_shared>>)
        tpu.yield
      }) : () -> ()
    } else {
    }
    %eq3A = arith.constant 15 : i32
    %eq3A_2 = arith.cmpi eq, %arg1, %eq3A : i32
    %convert_element_type3A_3 = arith.extui %eq3A_2 : i1 to i32
    %cond3A_4 = arith.constant 0 : i32
    %cond3A_5 = arith.cmpi ne, %convert_element_type3A_3, %cond3A_4 : i32
    scf.if %cond3A_5 {
      "tpu.region"() ({
        %run_scoped3A = tpu.sem_alloc : memref<!tpu.dma_semaphore, #tpu.memory_space<semaphore_mem>>
        %dma_start3A = arith.constant 9360 : i32
        %dma_start3A_22 = arith.constant 0 : i32
        %dma_start3A_23 = tpu.memref_slice %arg8[%dma_start3A, %dma_start3A_22] : memref<10000x128xf32, #tpu.memory_space<vmem_shared>> -> memref<640x128xf32, #tpu.memory_space<vmem_shared>>
        %dma_start3A_24 = arith.constant 9360 : i32
        %dma_start3A_25 = arith.constant 0 : i32
        %dma_start3A_26 = tpu.memref_slice %arg3[%dma_start3A_24, %dma_start3A_25] : memref<10000x128xf32, #tpu.memory_space<hbm>> -> memref<640x128xf32, #tpu.memory_space<hbm>>
        tpu.enqueue_dma source(%dma_start3A_26 : memref<640x128xf32, #tpu.memory_space<hbm>>) target(%dma_start3A_23 : memref<640x128xf32, #tpu.memory_space<vmem_shared>>) target_semaphore(%run_scoped3A : memref<!tpu.dma_semaphore, #tpu.memory_space<semaphore_mem>>)
        %dma_wait3A = arith.constant 9360 : i32
        %dma_wait3A_27 = arith.constant 0 : i32
        %dma_wait3A_28 = tpu.memref_slice %arg8[%dma_wait3A, %dma_wait3A_27] : memref<10000x128xf32, #tpu.memory_space<vmem_shared>> -> memref<640x128xf32, #tpu.memory_space<vmem_shared>>
        %dma_wait3A_29 = arith.constant 9360 : i32
        %dma_wait3A_30 = arith.constant 0 : i32
        %dma_wait3A_31 = tpu.memref_slice %arg3[%dma_wait3A_29, %dma_wait3A_30] : memref<10000x128xf32, #tpu.memory_space<hbm>> -> memref<640x128xf32, #tpu.memory_space<hbm>>
        tpu.wait_dma2 semaphore(%run_scoped3A : memref<!tpu.dma_semaphore, #tpu.memory_space<semaphore_mem>>) src(%dma_wait3A_31 : memref<640x128xf32, #tpu.memory_space<hbm>>) dst(%dma_wait3A_28 : memref<640x128xf32, #tpu.memory_space<vmem_shared>>)
        tpu.yield
      }) : () -> ()
    } else {
    }
    %barrier3A = arith.constant 0 : index
    tpu.barrier barrier_id(%barrier3A)
    %scan3A = arith.constant 0 : i32
    %scan3A_6 = arith.constant 0 : i32
    %scan3A_7 = arith.constant 250 : i32
    %scan3A_8 = arith.addi %scan3A_6, %scan3A_7 : i32
    %scan3A_9 = arith.constant 1 : i32
    scf.for %scan3A_22 = %scan3A_6 to %scan3A_8 step %scan3A_9  : i32 {
      "tpu.region"() ({
        %run_scoped3A = tpu.sem_alloc : memref<!tpu.dma_semaphore, #tpu.memory_space<semaphore_mem>>
        %dma_start3A = arith.constant 0 : i32
        %dma_start3A_23 = tpu.memref_slice %arg6[%scan3A_22, %dma_start3A] : memref<250x80xi32, #tpu.memory_space<vmem>> -> memref<1x80xi32, #tpu.memory_space<vmem>>
        %dma_start3A_24 = tpu.memref_squeeze %dma_start3A_23 : memref<1x80xi32, #tpu.memory_space<vmem>> -> memref<80xi32, #tpu.memory_space<vmem>>
        %dma_start3A_25 = arith.constant 0 : i32
        %dma_start3A_26 = arith.constant 0 : i32
        %dma_start3A_27 = tpu.memref_slice %arg8[%dma_start3A_25, %dma_start3A_26] : memref<10000x128xf32, #tpu.memory_space<vmem_shared>> -> memref<10000x128xf32, #tpu.memory_space<vmem_shared>>
        tpu.enqueue_indirect_dma source(%arg7 : memref<80x128xf32, #tpu.memory_space<vmem>>) target(%dma_start3A_27 : memref<10000x128xf32, #tpu.memory_space<vmem_shared>>) offsets(%dma_start3A_24 : memref<80xi32, #tpu.memory_space<vmem>>) semaphore(%run_scoped3A : memref<!tpu.dma_semaphore, #tpu.memory_space<semaphore_mem>>) {add = true}
        %dma_wait3A = arith.constant 0 : i32
        %dma_wait3A_28 = tpu.memref_slice %arg6[%scan3A_22, %dma_wait3A] : memref<250x80xi32, #tpu.memory_space<vmem>> -> memref<1x80xi32, #tpu.memory_space<vmem>>
        %dma_wait3A_29 = tpu.memref_squeeze %dma_wait3A_28 : memref<1x80xi32, #tpu.memory_space<vmem>> -> memref<80xi32, #tpu.memory_space<vmem>>
        %dma_wait3A_30 = arith.constant 0 : i32
        %dma_wait3A_31 = arith.constant 0 : i32
        %dma_wait3A_32 = tpu.memref_slice %arg8[%dma_wait3A_30, %dma_wait3A_31] : memref<10000x128xf32, #tpu.memory_space<vmem_shared>> -> memref<10000x128xf32, #tpu.memory_space<vmem_shared>>
        tpu.wait_indirect_dma semaphore(%run_scoped3A : memref<!tpu.dma_semaphore, #tpu.memory_space<semaphore_mem>>) src(%arg7 : memref<80x128xf32, #tpu.memory_space<vmem>>) dst(%dma_wait3A_32 : memref<10000x128xf32, #tpu.memory_space<vmem_shared>>)
        tpu.yield
      }) : () -> ()
    }
    %scan3A_10 = arith.constant 250 : i32
    %barrier3A_11 = arith.constant 0 : index
    tpu.barrier barrier_id(%barrier3A_11)
    %lt3A_12 = arith.constant 15 : i32
    %lt3A_13 = arith.cmpi slt, %arg1, %lt3A_12 : i32
    %convert_element_type3A_14 = arith.extui %lt3A_13 : i1 to i32
    %cond3A_15 = arith.constant 0 : i32
    %cond3A_16 = arith.cmpi ne, %convert_element_type3A_14, %cond3A_15 : i32
    scf.if %cond3A_16 {
      %mul3A = arith.constant 624 : i32
      %mul3A_22 = arith.muli %arg1, %mul3A : i32
      %mul3A_23 = arith.constant 624 : i32
      %mul3A_24 = arith.muli %arg1, %mul3A_23 : i32
      "tpu.region"() ({
        %run_scoped3A = tpu.sem_alloc : memref<!tpu.dma_semaphore, #tpu.memory_space<semaphore_mem>>
        %dma_start3A = arith.constant 0 : i32
        %dma_start3A_25 = tpu.memref_slice %arg5[%arg0, %mul3A_24, %dma_start3A] : memref<2x10000x128xf32, #tpu.memory_space<hbm>> -> memref<1x624x128xf32, #tpu.memory_space<hbm>>
        %dma_start3A_26 = tpu.memref_squeeze %dma_start3A_25 : memref<1x624x128xf32, #tpu.memory_space<hbm>> -> memref<624x128xf32, #tpu.memory_space<hbm>>
        %dma_start3A_27 = arith.constant 0 : i32
        %dma_start3A_28 = tpu.memref_slice %arg8[%mul3A_22, %dma_start3A_27] : memref<10000x128xf32, #tpu.memory_space<vmem_shared>> -> memref<624x128xf32, #tpu.memory_space<vmem_shared>>
        tpu.enqueue_dma source(%dma_start3A_28 : memref<624x128xf32, #tpu.memory_space<vmem_shared>>) target(%dma_start3A_26 : memref<624x128xf32, #tpu.memory_space<hbm>>) target_semaphore(%run_scoped3A : memref<!tpu.dma_semaphore, #tpu.memory_space<semaphore_mem>>)
        %dma_wait3A = arith.constant 0 : i32
        %dma_wait3A_29 = tpu.memref_slice %arg5[%arg0, %mul3A_24, %dma_wait3A] : memref<2x10000x128xf32, #tpu.memory_space<hbm>> -> memref<1x624x128xf32, #tpu.memory_space<hbm>>
        %dma_wait3A_30 = tpu.memref_squeeze %dma_wait3A_29 : memref<1x624x128xf32, #tpu.memory_space<hbm>> -> memref<624x128xf32, #tpu.memory_space<hbm>>
        %dma_wait3A_31 = arith.constant 0 : i32
        %dma_wait3A_32 = tpu.memref_slice %arg8[%mul3A_22, %dma_wait3A_31] : memref<10000x128xf32, #tpu.memory_space<vmem_shared>> -> memref<624x128xf32, #tpu.memory_space<vmem_shared>>
        tpu.wait_dma2 semaphore(%run_scoped3A : memref<!tpu.dma_semaphore, #tpu.memory_space<semaphore_mem>>) src(%dma_wait3A_32 : memref<624x128xf32, #tpu.memory_space<vmem_shared>>) dst(%dma_wait3A_30 : memref<624x128xf32, #tpu.memory_space<hbm>>)
        tpu.yield
      }) : () -> ()
    } else {
    }
    %eq3A_17 = arith.constant 15 : i32
    %eq3A_18 = arith.cmpi eq, %arg1, %eq3A_17 : i32
    %convert_element_type3A_19 = arith.extui %eq3A_18 : i1 to i32
    %cond3A_20 = arith.constant 0 : i32
    %cond3A_21 = arith.cmpi ne, %convert_element_type3A_19, %cond3A_20 : i32
    scf.if %cond3A_21 {
      "tpu.region"() ({
        %run_scoped3A = tpu.sem_alloc : memref<!tpu.dma_semaphore, #tpu.memory_space<semaphore_mem>>
        %dma_start3A = arith.constant 9360 : i32
        %dma_start3A_22 = arith.constant 0 : i32
        %dma_start3A_23 = tpu.memref_slice %arg5[%arg0, %dma_start3A, %dma_start3A_22] : memref<2x10000x128xf32, #tpu.memory_space<hbm>> -> memref<1x640x128xf32, #tpu.memory_space<hbm>>
        %dma_start3A_24 = tpu.memref_squeeze %dma_start3A_23 : memref<1x640x128xf32, #tpu.memory_space<hbm>> -> memref<640x128xf32, #tpu.memory_space<hbm>>
        %dma_start3A_25 = arith.constant 9360 : i32
        %dma_start3A_26 = arith.constant 0 : i32
        %dma_start3A_27 = tpu.memref_slice %arg8[%dma_start3A_25, %dma_start3A_26] : memref<10000x128xf32, #tpu.memory_space<vmem_shared>> -> memref<640x128xf32, #tpu.memory_space<vmem_shared>>
        tpu.enqueue_dma source(%dma_start3A_27 : memref<640x128xf32, #tpu.memory_space<vmem_shared>>) target(%dma_start3A_24 : memref<640x128xf32, #tpu.memory_space<hbm>>) target_semaphore(%run_scoped3A : memref<!tpu.dma_semaphore, #tpu.memory_space<semaphore_mem>>)
        %dma_wait3A = arith.constant 9360 : i32
        %dma_wait3A_28 = arith.constant 0 : i32
        %dma_wait3A_29 = tpu.memref_slice %arg5[%arg0, %dma_wait3A, %dma_wait3A_28] : memref<2x10000x128xf32, #tpu.memory_space<hbm>> -> memref<1x640x128xf32, #tpu.memory_space<hbm>>
        %dma_wait3A_30 = tpu.memref_squeeze %dma_wait3A_29 : memref<1x640x128xf32, #tpu.memory_space<hbm>> -> memref<640x128xf32, #tpu.memory_space<hbm>>
        %dma_wait3A_31 = arith.constant 9360 : i32
        %dma_wait3A_32 = arith.constant 0 : i32
        %dma_wait3A_33 = tpu.memref_slice %arg8[%dma_wait3A_31, %dma_wait3A_32] : memref<10000x128xf32, #tpu.memory_space<vmem_shared>> -> memref<640x128xf32, #tpu.memory_space<vmem_shared>>
        tpu.wait_dma2 semaphore(%run_scoped3A : memref<!tpu.dma_semaphore, #tpu.memory_space<semaphore_mem>>) src(%dma_wait3A_33 : memref<640x128xf32, #tpu.memory_space<vmem_shared>>) dst(%dma_wait3A_30 : memref<640x128xf32, #tpu.memory_space<hbm>>)
        tpu.yield
      }) : () -> ()
    } else {
    }
    return
  }
}

#map = affine_map<(d0, d1) -> (0, 0)>
#map1 = affine_map<(d0, d1) -> (0, 0, 0)>
module attributes {stable_mosaic.version = 14 : i64} {
  func.func @agg_kernel(%arg0: i32, %arg1: i32, %arg2: memref<10000x128xf32, #tpu.memory_space<hbm>>, %arg3: memref<32x125x80xi32, #tpu.memory_space<hbm>>, %arg4: memref<32x125x80xi32, #tpu.memory_space<hbm>>, %arg5: memref<10000x128xf32, #tpu.memory_space<hbm>>, %arg6: memref<2x10000x128xf32, #tpu.memory_space<hbm>>, %arg7: memref<125x80xi32, #tpu.memory_space<vmem>>, %arg8: memref<125x80xi32, #tpu.memory_space<vmem>>, %arg9: memref<80x128xf32, #tpu.memory_space<vmem>>, %arg10: memref<10000x128xf32, #tpu.memory_space<vmem_shared>>, %arg11: memref<!tpu.dma_semaphore, #tpu.memory_space<semaphore_mem>>) attributes {dimension_semantics = [#tpu.dimension_semantics<core_parallel>, #tpu.dimension_semantics<subcore_parallel>], iteration_bounds = array<i64: 2, 16>, scalar_prefetch = 0 : i64, scratch_operands = 5 : i64, tpu.core_type = #tpu.core_type<sc_vector_subcore>, window_params = [{transform_indices = #map}, {transform_indices = #map1}, {transform_indices = #map1}, {transform_indices = #map}, {transform_indices = #map1}]} {
    %mul3A = arith.constant 2 : i32
    %mul3A_0 = arith.muli %arg1, %mul3A : i32
    %add3A = arith.addi %mul3A_0, %arg0 : i32
    "tpu.region"() ({
      %run_scoped3A = tpu.sem_alloc : memref<!tpu.dma_semaphore, #tpu.memory_space<semaphore_mem>>
      %dma_start3A = arith.constant 0 : i32
      %dma_start3A_23 = arith.constant 0 : i32
      %dma_start3A_24 = tpu.memref_slice %arg3[%add3A, %dma_start3A, %dma_start3A_23] : memref<32x125x80xi32, #tpu.memory_space<hbm>> -> memref<1x125x80xi32, #tpu.memory_space<hbm>>
      %dma_start3A_25 = tpu.memref_squeeze %dma_start3A_24 : memref<1x125x80xi32, #tpu.memory_space<hbm>> -> memref<125x80xi32, #tpu.memory_space<hbm>>
      %dma_start3A_26 = arith.constant 0 : i32
      %dma_start3A_27 = arith.constant 0 : i32
      %dma_start3A_28 = tpu.memref_slice %arg3[%add3A, %dma_start3A_26, %dma_start3A_27] : memref<32x125x80xi32, #tpu.memory_space<hbm>> -> memref<1x125x80xi32, #tpu.memory_space<hbm>>
      %dma_start3A_29 = tpu.memref_squeeze %dma_start3A_28 : memref<1x125x80xi32, #tpu.memory_space<hbm>> -> memref<125x80xi32, #tpu.memory_space<hbm>>
      tpu.enqueue_dma source(%dma_start3A_29 : memref<125x80xi32, #tpu.memory_space<hbm>>) target(%arg7 : memref<125x80xi32, #tpu.memory_space<vmem>>) target_semaphore(%run_scoped3A : memref<!tpu.dma_semaphore, #tpu.memory_space<semaphore_mem>>)
      %dma_wait3A = arith.constant 0 : i32
      %dma_wait3A_30 = arith.constant 0 : i32
      %dma_wait3A_31 = tpu.memref_slice %arg3[%add3A, %dma_wait3A, %dma_wait3A_30] : memref<32x125x80xi32, #tpu.memory_space<hbm>> -> memref<1x125x80xi32, #tpu.memory_space<hbm>>
      %dma_wait3A_32 = tpu.memref_squeeze %dma_wait3A_31 : memref<1x125x80xi32, #tpu.memory_space<hbm>> -> memref<125x80xi32, #tpu.memory_space<hbm>>
      %dma_wait3A_33 = arith.constant 0 : i32
      %dma_wait3A_34 = arith.constant 0 : i32
      %dma_wait3A_35 = tpu.memref_slice %arg3[%add3A, %dma_wait3A_33, %dma_wait3A_34] : memref<32x125x80xi32, #tpu.memory_space<hbm>> -> memref<1x125x80xi32, #tpu.memory_space<hbm>>
      %dma_wait3A_36 = tpu.memref_squeeze %dma_wait3A_35 : memref<1x125x80xi32, #tpu.memory_space<hbm>> -> memref<125x80xi32, #tpu.memory_space<hbm>>
      tpu.wait_dma2 semaphore(%run_scoped3A : memref<!tpu.dma_semaphore, #tpu.memory_space<semaphore_mem>>) src(%dma_wait3A_36 : memref<125x80xi32, #tpu.memory_space<hbm>>) dst(%arg7 : memref<125x80xi32, #tpu.memory_space<vmem>>)
      tpu.yield
    }) : () -> ()
    "tpu.region"() ({
      %run_scoped3A = tpu.sem_alloc : memref<!tpu.dma_semaphore, #tpu.memory_space<semaphore_mem>>
      %dma_start3A = arith.constant 0 : i32
      %dma_start3A_23 = arith.constant 0 : i32
      %dma_start3A_24 = tpu.memref_slice %arg4[%add3A, %dma_start3A, %dma_start3A_23] : memref<32x125x80xi32, #tpu.memory_space<hbm>> -> memref<1x125x80xi32, #tpu.memory_space<hbm>>
      %dma_start3A_25 = tpu.memref_squeeze %dma_start3A_24 : memref<1x125x80xi32, #tpu.memory_space<hbm>> -> memref<125x80xi32, #tpu.memory_space<hbm>>
      %dma_start3A_26 = arith.constant 0 : i32
      %dma_start3A_27 = arith.constant 0 : i32
      %dma_start3A_28 = tpu.memref_slice %arg4[%add3A, %dma_start3A_26, %dma_start3A_27] : memref<32x125x80xi32, #tpu.memory_space<hbm>> -> memref<1x125x80xi32, #tpu.memory_space<hbm>>
      %dma_start3A_29 = tpu.memref_squeeze %dma_start3A_28 : memref<1x125x80xi32, #tpu.memory_space<hbm>> -> memref<125x80xi32, #tpu.memory_space<hbm>>
      tpu.enqueue_dma source(%dma_start3A_29 : memref<125x80xi32, #tpu.memory_space<hbm>>) target(%arg8 : memref<125x80xi32, #tpu.memory_space<vmem>>) target_semaphore(%run_scoped3A : memref<!tpu.dma_semaphore, #tpu.memory_space<semaphore_mem>>)
      %dma_wait3A = arith.constant 0 : i32
      %dma_wait3A_30 = arith.constant 0 : i32
      %dma_wait3A_31 = tpu.memref_slice %arg4[%add3A, %dma_wait3A, %dma_wait3A_30] : memref<32x125x80xi32, #tpu.memory_space<hbm>> -> memref<1x125x80xi32, #tpu.memory_space<hbm>>
      %dma_wait3A_32 = tpu.memref_squeeze %dma_wait3A_31 : memref<1x125x80xi32, #tpu.memory_space<hbm>> -> memref<125x80xi32, #tpu.memory_space<hbm>>
      %dma_wait3A_33 = arith.constant 0 : i32
      %dma_wait3A_34 = arith.constant 0 : i32
      %dma_wait3A_35 = tpu.memref_slice %arg4[%add3A, %dma_wait3A_33, %dma_wait3A_34] : memref<32x125x80xi32, #tpu.memory_space<hbm>> -> memref<1x125x80xi32, #tpu.memory_space<hbm>>
      %dma_wait3A_36 = tpu.memref_squeeze %dma_wait3A_35 : memref<1x125x80xi32, #tpu.memory_space<hbm>> -> memref<125x80xi32, #tpu.memory_space<hbm>>
      tpu.wait_dma2 semaphore(%run_scoped3A : memref<!tpu.dma_semaphore, #tpu.memory_space<semaphore_mem>>) src(%dma_wait3A_36 : memref<125x80xi32, #tpu.memory_space<hbm>>) dst(%arg8 : memref<125x80xi32, #tpu.memory_space<vmem>>)
      tpu.yield
    }) : () -> ()
    %lt3A = arith.constant 15 : i32
    %lt3A_1 = arith.cmpi slt, %arg1, %lt3A : i32
    %convert_element_type3A = arith.extui %lt3A_1 : i1 to i32
    %cond3A = arith.constant 0 : i32
    %cond3A_2 = arith.cmpi ne, %convert_element_type3A, %cond3A : i32
    scf.if %cond3A_2 {
      %mul3A_23 = arith.constant 624 : i32
      %mul3A_24 = arith.muli %arg1, %mul3A_23 : i32
      %mul3A_25 = arith.constant 624 : i32
      %mul3A_26 = arith.muli %arg1, %mul3A_25 : i32
      "tpu.region"() ({
        %run_scoped3A = tpu.sem_alloc : memref<!tpu.dma_semaphore, #tpu.memory_space<semaphore_mem>>
        %dma_start3A = arith.constant 0 : i32
        %dma_start3A_27 = tpu.memref_slice %arg10[%mul3A_26, %dma_start3A] : memref<10000x128xf32, #tpu.memory_space<vmem_shared>> -> memref<624x128xf32, #tpu.memory_space<vmem_shared>>
        %dma_start3A_28 = arith.constant 0 : i32
        %dma_start3A_29 = tpu.memref_slice %arg5[%mul3A_24, %dma_start3A_28] : memref<10000x128xf32, #tpu.memory_space<hbm>> -> memref<624x128xf32, #tpu.memory_space<hbm>>
        tpu.enqueue_dma source(%dma_start3A_29 : memref<624x128xf32, #tpu.memory_space<hbm>>) target(%dma_start3A_27 : memref<624x128xf32, #tpu.memory_space<vmem_shared>>) target_semaphore(%run_scoped3A : memref<!tpu.dma_semaphore, #tpu.memory_space<semaphore_mem>>)
        %dma_wait3A = arith.constant 0 : i32
        %dma_wait3A_30 = tpu.memref_slice %arg10[%mul3A_26, %dma_wait3A] : memref<10000x128xf32, #tpu.memory_space<vmem_shared>> -> memref<624x128xf32, #tpu.memory_space<vmem_shared>>
        %dma_wait3A_31 = arith.constant 0 : i32
        %dma_wait3A_32 = tpu.memref_slice %arg5[%mul3A_24, %dma_wait3A_31] : memref<10000x128xf32, #tpu.memory_space<hbm>> -> memref<624x128xf32, #tpu.memory_space<hbm>>
        tpu.wait_dma2 semaphore(%run_scoped3A : memref<!tpu.dma_semaphore, #tpu.memory_space<semaphore_mem>>) src(%dma_wait3A_32 : memref<624x128xf32, #tpu.memory_space<hbm>>) dst(%dma_wait3A_30 : memref<624x128xf32, #tpu.memory_space<vmem_shared>>)
        tpu.yield
      }) : () -> ()
    } else {
    }
    %eq3A = arith.constant 15 : i32
    %eq3A_3 = arith.cmpi eq, %arg1, %eq3A : i32
    %convert_element_type3A_4 = arith.extui %eq3A_3 : i1 to i32
    %cond3A_5 = arith.constant 0 : i32
    %cond3A_6 = arith.cmpi ne, %convert_element_type3A_4, %cond3A_5 : i32
    scf.if %cond3A_6 {
      "tpu.region"() ({
        %run_scoped3A = tpu.sem_alloc : memref<!tpu.dma_semaphore, #tpu.memory_space<semaphore_mem>>
        %dma_start3A = arith.constant 9360 : i32
        %dma_start3A_23 = arith.constant 0 : i32
        %dma_start3A_24 = tpu.memref_slice %arg10[%dma_start3A, %dma_start3A_23] : memref<10000x128xf32, #tpu.memory_space<vmem_shared>> -> memref<640x128xf32, #tpu.memory_space<vmem_shared>>
        %dma_start3A_25 = arith.constant 9360 : i32
        %dma_start3A_26 = arith.constant 0 : i32
        %dma_start3A_27 = tpu.memref_slice %arg5[%dma_start3A_25, %dma_start3A_26] : memref<10000x128xf32, #tpu.memory_space<hbm>> -> memref<640x128xf32, #tpu.memory_space<hbm>>
        tpu.enqueue_dma source(%dma_start3A_27 : memref<640x128xf32, #tpu.memory_space<hbm>>) target(%dma_start3A_24 : memref<640x128xf32, #tpu.memory_space<vmem_shared>>) target_semaphore(%run_scoped3A : memref<!tpu.dma_semaphore, #tpu.memory_space<semaphore_mem>>)
        %dma_wait3A = arith.constant 9360 : i32
        %dma_wait3A_28 = arith.constant 0 : i32
        %dma_wait3A_29 = tpu.memref_slice %arg10[%dma_wait3A, %dma_wait3A_28] : memref<10000x128xf32, #tpu.memory_space<vmem_shared>> -> memref<640x128xf32, #tpu.memory_space<vmem_shared>>
        %dma_wait3A_30 = arith.constant 9360 : i32
        %dma_wait3A_31 = arith.constant 0 : i32
        %dma_wait3A_32 = tpu.memref_slice %arg5[%dma_wait3A_30, %dma_wait3A_31] : memref<10000x128xf32, #tpu.memory_space<hbm>> -> memref<640x128xf32, #tpu.memory_space<hbm>>
        tpu.wait_dma2 semaphore(%run_scoped3A : memref<!tpu.dma_semaphore, #tpu.memory_space<semaphore_mem>>) src(%dma_wait3A_32 : memref<640x128xf32, #tpu.memory_space<hbm>>) dst(%dma_wait3A_29 : memref<640x128xf32, #tpu.memory_space<vmem_shared>>)
        tpu.yield
      }) : () -> ()
    } else {
    }
    %barrier3A = arith.constant 0 : index
    tpu.barrier barrier_id(%barrier3A)
    %scan3A = arith.constant 0 : i32
    %scan3A_7 = arith.constant 0 : i32
    %scan3A_8 = arith.constant 125 : i32
    %scan3A_9 = arith.addi %scan3A_7, %scan3A_8 : i32
    %scan3A_10 = arith.constant 1 : i32
    scf.for %scan3A_23 = %scan3A_7 to %scan3A_9 step %scan3A_10  : i32 {
      %dma_start3A = arith.constant 0 : i32
      %dma_start3A_24 = tpu.memref_slice %arg7[%scan3A_23, %dma_start3A] : memref<125x80xi32, #tpu.memory_space<vmem>> -> memref<1x80xi32, #tpu.memory_space<vmem>>
      %dma_start3A_25 = tpu.memref_squeeze %dma_start3A_24 : memref<1x80xi32, #tpu.memory_space<vmem>> -> memref<80xi32, #tpu.memory_space<vmem>>
      %dma_start3A_26 = arith.constant 0 : i32
      %dma_start3A_27 = arith.constant 0 : i32
      %dma_start3A_28 = tpu.memref_slice %arg2[%dma_start3A_26, %dma_start3A_27] : memref<10000x128xf32, #tpu.memory_space<hbm>> -> memref<10000x128xf32, #tpu.memory_space<hbm>>
      tpu.enqueue_indirect_dma source(%dma_start3A_28 : memref<10000x128xf32, #tpu.memory_space<hbm>>) target(%arg9 : memref<80x128xf32, #tpu.memory_space<vmem>>) offsets(%dma_start3A_25 : memref<80xi32, #tpu.memory_space<vmem>>) semaphore(%arg11 : memref<!tpu.dma_semaphore, #tpu.memory_space<semaphore_mem>>)
      %dma_wait3A = arith.constant 0 : i32
      %dma_wait3A_29 = tpu.memref_slice %arg7[%scan3A_23, %dma_wait3A] : memref<125x80xi32, #tpu.memory_space<vmem>> -> memref<1x80xi32, #tpu.memory_space<vmem>>
      %dma_wait3A_30 = tpu.memref_squeeze %dma_wait3A_29 : memref<1x80xi32, #tpu.memory_space<vmem>> -> memref<80xi32, #tpu.memory_space<vmem>>
      %dma_wait3A_31 = arith.constant 0 : i32
      %dma_wait3A_32 = arith.constant 0 : i32
      %dma_wait3A_33 = tpu.memref_slice %arg2[%dma_wait3A_31, %dma_wait3A_32] : memref<10000x128xf32, #tpu.memory_space<hbm>> -> memref<10000x128xf32, #tpu.memory_space<hbm>>
      tpu.wait_indirect_dma semaphore(%arg11 : memref<!tpu.dma_semaphore, #tpu.memory_space<semaphore_mem>>) src(%dma_wait3A_33 : memref<10000x128xf32, #tpu.memory_space<hbm>>) dst(%arg9 : memref<80x128xf32, #tpu.memory_space<vmem>>)
      "tpu.region"() ({
        %run_scoped3A = tpu.sem_alloc : memref<!tpu.dma_semaphore, #tpu.memory_space<semaphore_mem>>
        %dma_start3A_34 = arith.constant 0 : i32
        %dma_start3A_35 = tpu.memref_slice %arg8[%scan3A_23, %dma_start3A_34] : memref<125x80xi32, #tpu.memory_space<vmem>> -> memref<1x80xi32, #tpu.memory_space<vmem>>
        %dma_start3A_36 = tpu.memref_squeeze %dma_start3A_35 : memref<1x80xi32, #tpu.memory_space<vmem>> -> memref<80xi32, #tpu.memory_space<vmem>>
        %dma_start3A_37 = arith.constant 0 : i32
        %dma_start3A_38 = arith.constant 0 : i32
        %dma_start3A_39 = tpu.memref_slice %arg10[%dma_start3A_37, %dma_start3A_38] : memref<10000x128xf32, #tpu.memory_space<vmem_shared>> -> memref<10000x128xf32, #tpu.memory_space<vmem_shared>>
        tpu.enqueue_indirect_dma source(%arg9 : memref<80x128xf32, #tpu.memory_space<vmem>>) target(%dma_start3A_39 : memref<10000x128xf32, #tpu.memory_space<vmem_shared>>) offsets(%dma_start3A_36 : memref<80xi32, #tpu.memory_space<vmem>>) semaphore(%run_scoped3A : memref<!tpu.dma_semaphore, #tpu.memory_space<semaphore_mem>>) {add = true}
        %dma_wait3A_40 = arith.constant 0 : i32
        %dma_wait3A_41 = tpu.memref_slice %arg8[%scan3A_23, %dma_wait3A_40] : memref<125x80xi32, #tpu.memory_space<vmem>> -> memref<1x80xi32, #tpu.memory_space<vmem>>
        %dma_wait3A_42 = tpu.memref_squeeze %dma_wait3A_41 : memref<1x80xi32, #tpu.memory_space<vmem>> -> memref<80xi32, #tpu.memory_space<vmem>>
        %dma_wait3A_43 = arith.constant 0 : i32
        %dma_wait3A_44 = arith.constant 0 : i32
        %dma_wait3A_45 = tpu.memref_slice %arg10[%dma_wait3A_43, %dma_wait3A_44] : memref<10000x128xf32, #tpu.memory_space<vmem_shared>> -> memref<10000x128xf32, #tpu.memory_space<vmem_shared>>
        tpu.wait_indirect_dma semaphore(%run_scoped3A : memref<!tpu.dma_semaphore, #tpu.memory_space<semaphore_mem>>) src(%arg9 : memref<80x128xf32, #tpu.memory_space<vmem>>) dst(%dma_wait3A_45 : memref<10000x128xf32, #tpu.memory_space<vmem_shared>>)
        tpu.yield
      }) : () -> ()
    }
    %scan3A_11 = arith.constant 125 : i32
    %barrier3A_12 = arith.constant 0 : index
    tpu.barrier barrier_id(%barrier3A_12)
    %lt3A_13 = arith.constant 15 : i32
    %lt3A_14 = arith.cmpi slt, %arg1, %lt3A_13 : i32
    %convert_element_type3A_15 = arith.extui %lt3A_14 : i1 to i32
    %cond3A_16 = arith.constant 0 : i32
    %cond3A_17 = arith.cmpi ne, %convert_element_type3A_15, %cond3A_16 : i32
    scf.if %cond3A_17 {
      %mul3A_23 = arith.constant 624 : i32
      %mul3A_24 = arith.muli %arg1, %mul3A_23 : i32
      %mul3A_25 = arith.constant 624 : i32
      %mul3A_26 = arith.muli %arg1, %mul3A_25 : i32
      "tpu.region"() ({
        %run_scoped3A = tpu.sem_alloc : memref<!tpu.dma_semaphore, #tpu.memory_space<semaphore_mem>>
        %dma_start3A = arith.constant 0 : i32
        %dma_start3A_27 = tpu.memref_slice %arg6[%arg0, %mul3A_26, %dma_start3A] : memref<2x10000x128xf32, #tpu.memory_space<hbm>> -> memref<1x624x128xf32, #tpu.memory_space<hbm>>
        %dma_start3A_28 = tpu.memref_squeeze %dma_start3A_27 : memref<1x624x128xf32, #tpu.memory_space<hbm>> -> memref<624x128xf32, #tpu.memory_space<hbm>>
        %dma_start3A_29 = arith.constant 0 : i32
        %dma_start3A_30 = tpu.memref_slice %arg10[%mul3A_24, %dma_start3A_29] : memref<10000x128xf32, #tpu.memory_space<vmem_shared>> -> memref<624x128xf32, #tpu.memory_space<vmem_shared>>
        tpu.enqueue_dma source(%dma_start3A_30 : memref<624x128xf32, #tpu.memory_space<vmem_shared>>) target(%dma_start3A_28 : memref<624x128xf32, #tpu.memory_space<hbm>>) target_semaphore(%run_scoped3A : memref<!tpu.dma_semaphore, #tpu.memory_space<semaphore_mem>>)
        %dma_wait3A = arith.constant 0 : i32
        %dma_wait3A_31 = tpu.memref_slice %arg6[%arg0, %mul3A_26, %dma_wait3A] : memref<2x10000x128xf32, #tpu.memory_space<hbm>> -> memref<1x624x128xf32, #tpu.memory_space<hbm>>
        %dma_wait3A_32 = tpu.memref_squeeze %dma_wait3A_31 : memref<1x624x128xf32, #tpu.memory_space<hbm>> -> memref<624x128xf32, #tpu.memory_space<hbm>>
        %dma_wait3A_33 = arith.constant 0 : i32
        %dma_wait3A_34 = tpu.memref_slice %arg10[%mul3A_24, %dma_wait3A_33] : memref<10000x128xf32, #tpu.memory_space<vmem_shared>> -> memref<624x128xf32, #tpu.memory_space<vmem_shared>>
        tpu.wait_dma2 semaphore(%run_scoped3A : memref<!tpu.dma_semaphore, #tpu.memory_space<semaphore_mem>>) src(%dma_wait3A_34 : memref<624x128xf32, #tpu.memory_space<vmem_shared>>) dst(%dma_wait3A_32 : memref<624x128xf32, #tpu.memory_space<hbm>>)
        tpu.yield
      }) : () -> ()
    } else {
    }
    %eq3A_18 = arith.constant 15 : i32
    %eq3A_19 = arith.cmpi eq, %arg1, %eq3A_18 : i32
    %convert_element_type3A_20 = arith.extui %eq3A_19 : i1 to i32
    %cond3A_21 = arith.constant 0 : i32
    %cond3A_22 = arith.cmpi ne, %convert_element_type3A_20, %cond3A_21 : i32
    scf.if %cond3A_22 {
      "tpu.region"() ({
        %run_scoped3A = tpu.sem_alloc : memref<!tpu.dma_semaphore, #tpu.memory_space<semaphore_mem>>
        %dma_start3A = arith.constant 9360 : i32
        %dma_start3A_23 = arith.constant 0 : i32
        %dma_start3A_24 = tpu.memref_slice %arg6[%arg0, %dma_start3A, %dma_start3A_23] : memref<2x10000x128xf32, #tpu.memory_space<hbm>> -> memref<1x640x128xf32, #tpu.memory_space<hbm>>
        %dma_start3A_25 = tpu.memref_squeeze %dma_start3A_24 : memref<1x640x128xf32, #tpu.memory_space<hbm>> -> memref<640x128xf32, #tpu.memory_space<hbm>>
        %dma_start3A_26 = arith.constant 9360 : i32
        %dma_start3A_27 = arith.constant 0 : i32
        %dma_start3A_28 = tpu.memref_slice %arg10[%dma_start3A_26, %dma_start3A_27] : memref<10000x128xf32, #tpu.memory_space<vmem_shared>> -> memref<640x128xf32, #tpu.memory_space<vmem_shared>>
        tpu.enqueue_dma source(%dma_start3A_28 : memref<640x128xf32, #tpu.memory_space<vmem_shared>>) target(%dma_start3A_25 : memref<640x128xf32, #tpu.memory_space<hbm>>) target_semaphore(%run_scoped3A : memref<!tpu.dma_semaphore, #tpu.memory_space<semaphore_mem>>)
        %dma_wait3A = arith.constant 9360 : i32
        %dma_wait3A_29 = arith.constant 0 : i32
        %dma_wait3A_30 = tpu.memref_slice %arg6[%arg0, %dma_wait3A, %dma_wait3A_29] : memref<2x10000x128xf32, #tpu.memory_space<hbm>> -> memref<1x640x128xf32, #tpu.memory_space<hbm>>
        %dma_wait3A_31 = tpu.memref_squeeze %dma_wait3A_30 : memref<1x640x128xf32, #tpu.memory_space<hbm>> -> memref<640x128xf32, #tpu.memory_space<hbm>>
        %dma_wait3A_32 = arith.constant 9360 : i32
        %dma_wait3A_33 = arith.constant 0 : i32
        %dma_wait3A_34 = tpu.memref_slice %arg10[%dma_wait3A_32, %dma_wait3A_33] : memref<10000x128xf32, #tpu.memory_space<vmem_shared>> -> memref<640x128xf32, #tpu.memory_space<vmem_shared>>
        tpu.wait_dma2 semaphore(%run_scoped3A : memref<!tpu.dma_semaphore, #tpu.memory_space<semaphore_mem>>) src(%dma_wait3A_34 : memref<640x128xf32, #tpu.memory_space<vmem_shared>>) dst(%dma_wait3A_31 : memref<640x128xf32, #tpu.memory_space<hbm>>)
        tpu.yield
      }) : () -> ()
    } else {
    }
    return
  }
}

module attributes {stable_mosaic.version = 14 : i64} {
  func.func @body(%arg0: memref<2x10000x128xf32, #tpu.memory_space<vmem>>, %arg1: memref<10000x128xf32, #tpu.memory_space<vmem>>, %arg2: memref<10000x128xf32, #tpu.memory_space<vmem>>, %arg3: memref<10000x2xf32, #tpu.memory_space<vmem>>) attributes {dimension_semantics = [], scalar_prefetch = 0 : i64, scratch_operands = 0 : i64, tpu.core_type = #tpu.core_type<tc>} {
    %get3A = arith.constant 0 : index
    %get3A_0 = arith.constant 0 : index
    %get3A_1 = arith.constant 0 : index
    %get3A_2 = vector.load %arg0[%get3A, %get3A_0, %get3A_1] : memref<2x10000x128xf32, #tpu.memory_space<vmem>>, vector<2x10000x128xf32>
    %slice3A = vector.extract_strided_slice %get3A_2 {offsets = [0, 0, 0], sizes = [2, 10000, 1], strides = [1, 1, 1]} : vector<2x10000x128xf32> to vector<2x10000x1xf32>
    %squeeze3A = vector.shape_cast %slice3A : vector<2x10000x1xf32> to vector<2x10000xf32>
    %max3A = arith.constant 1.000000e+00 : f32
    %max3A_3 = vector.broadcast %max3A : f32 to vector<2x10000xf32>
    %max3A_4 = arith.maximumf %squeeze3A, %max3A_3 : vector<2x10000xf32>
    %rsqrt3A = math.rsqrt %max3A_4 : vector<2x10000xf32>
    %transpose3A = tpu.transpose %rsqrt3A, [1, 0] : vector<2x10000xf32> -> vector<10000x2xf32>
    %swap3A = arith.constant 0 : index
    %swap3A_5 = arith.constant 0 : index
    %swap3A_6 = vector.load %arg3[%swap3A, %swap3A_5] : memref<10000x2xf32, #tpu.memory_space<vmem>>, vector<10000x2xf32>
    tpu.vector_store %arg3[%swap3A, %swap3A_5], %transpose3A {strides = array<i32>} : memref<10000x2xf32, #tpu.memory_space<vmem>>, vector<10000x2xf32>,
    %get3A_7 = arith.constant 0 : index
    %get3A_8 = arith.constant 0 : index
    %get3A_9 = vector.load %arg1[%get3A_7, %get3A_8] : memref<10000x128xf32, #tpu.memory_space<vmem>>, vector<10000x128xf32>
    %slice3A_10 = vector.extract_strided_slice %rsqrt3A {offsets = [0, 0], sizes = [1, 10000], strides = [1, 1]} : vector<2x10000xf32> to vector<1x10000xf32>
    %squeeze3A_11 = vector.shape_cast %slice3A_10 : vector<1x10000xf32> to vector<10000xf32>
    %broadcast_in_dim3A = vector.shape_cast %squeeze3A_11 : vector<10000xf32> to vector<10000x1xf32>
    %mul3A = vector.broadcast %broadcast_in_dim3A : vector<10000x1xf32> to vector<10000x128xf32>
    %mul3A_12 = arith.mulf %get3A_9, %mul3A : vector<10000x128xf32>
    %swap3A_13 = arith.constant 0 : index
    %swap3A_14 = arith.constant 0 : index
    %swap3A_15 = vector.load %arg2[%swap3A_13, %swap3A_14] : memref<10000x128xf32, #tpu.memory_space<vmem>>, vector<10000x128xf32>
    tpu.vector_store %arg2[%swap3A_13, %swap3A_14], %mul3A_12 {strides = array<i32>} : memref<10000x128xf32, #tpu.memory_space<vmem>>, vector<10000x128xf32>,
    return
  }
}

module attributes {stable_mosaic.version = 14 : i64} {
  func.func @body(%arg0: i32, %arg1: memref<2x1000x128xf32, #tpu.memory_space<vmem>>, %arg2: memref<1000x2xf32, #tpu.memory_space<vmem>>, %arg3: memref<128x256xf32, #tpu.memory_space<vmem>>, %arg4: memref<1x256xf32, #tpu.memory_space<vmem>>, %arg5: memref<256x128xf32, #tpu.memory_space<vmem>>, %arg6: memref<1000x128xf32, #tpu.memory_space<vmem>>) attributes {dimension_semantics = [#tpu.dimension_semantics<arbitrary>], iteration_bounds = array<i64: 10>, scalar_prefetch = 0 : i64, scratch_operands = 0 : i64, tpu.core_type = #tpu.core_type<tc>, window_params = [{transform_indices = @transform_0, window_bounds = array<i64: 2, 1000, 128>}, {transform_indices = @transform_1, window_bounds = array<i64: 1000, 2>}, {pipeline_mode = #tpu.pipeline_mode<synchronous>, transform_indices = @transform_2, window_bounds = array<i64: 128, 256>}, {pipeline_mode = #tpu.pipeline_mode<synchronous>, transform_indices = @transform_3, window_bounds = array<i64: 1, 256>}, {pipeline_mode = #tpu.pipeline_mode<synchronous>, transform_indices = @transform_4, window_bounds = array<i64: 256, 128>}, {transform_indices = @transform_5, window_bounds = array<i64: 1000, 128>}]} {
    %get3A = arith.constant 0 : index
    %get3A_0 = arith.constant 0 : index
    %get3A_1 = arith.constant 0 : index
    %get3A_2 = vector.load %arg1[%get3A, %get3A_0, %get3A_1] : memref<2x1000x128xf32, #tpu.memory_space<vmem>>, vector<1x1000x128xf32>
    %get3A_3 = vector.shape_cast %get3A_2 : vector<1x1000x128xf32> to vector<1000x128xf32>
    %get3A_4 = arith.constant 1 : index
    %get3A_5 = arith.constant 0 : index
    %get3A_6 = arith.constant 0 : index
    %get3A_7 = vector.load %arg1[%get3A_4, %get3A_5, %get3A_6] : memref<2x1000x128xf32, #tpu.memory_space<vmem>>, vector<1x1000x128xf32>
    %get3A_8 = vector.shape_cast %get3A_7 : vector<1x1000x128xf32> to vector<1000x128xf32>
    %add3A = arith.addf %get3A_3, %get3A_8 : vector<1000x128xf32>
    %get3A_9 = arith.constant 0 : index
    %get3A_10 = arith.constant 0 : index
    %get3A_11 = vector.load %arg2[%get3A_9, %get3A_10] : memref<1000x2xf32, #tpu.memory_space<vmem>>, vector<1000x1xf32>
    %get3A_12 = arith.constant 0 : index
    %get3A_13 = arith.constant 1 : index
    %get3A_14 = vector.load %arg2[%get3A_12, %get3A_13] : memref<1000x2xf32, #tpu.memory_space<vmem>>, vector<1000x1xf32>
    %mul3A = vector.broadcast %get3A_14 : vector<1000x1xf32> to vector<1000x128xf32>
    %mul3A_15 = arith.mulf %add3A, %mul3A : vector<1000x128xf32>
    %get3A_16 = arith.constant 0 : index
    %get3A_17 = arith.constant 0 : index
    %get3A_18 = vector.load %arg3[%get3A_16, %get3A_17] : memref<128x256xf32, #tpu.memory_space<vmem>>, vector<128x256xf32>
    %dot_general3A = arith.constant dense<0.000000e+00> : vector<1000x256xf32>
    %dot_general3A_19 = tpu.matmul %mul3A_15, %get3A_18, %dot_general3A {dimension_numbers = #tpu.dot_dimension_numbers<[1], [0], [0], [1], [0, 0, 1, 1], [], []>, transpose_lhs_hint = false} : vector<1000x128xf32>, vector<128x256xf32>, vector<1000x256xf32> -> vector<1000x256xf32>
    %get3A_20 = arith.constant 0 : index
    %get3A_21 = arith.constant 0 : index
    %get3A_22 = vector.load %arg4[%get3A_20, %get3A_21] : memref<1x256xf32, #tpu.memory_space<vmem>>, vector<1x256xf32>
    %add3A_23 = vector.broadcast %get3A_22 : vector<1x256xf32> to vector<1000x256xf32>
    %add3A_24 = arith.addf %dot_general3A_19, %add3A_23 : vector<1000x256xf32>
    %max3A = arith.constant 0.000000e+00 : f32
    %max3A_25 = vector.broadcast %max3A : f32 to vector<1000x256xf32>
    %max3A_26 = arith.maximumf %add3A_24, %max3A_25 : vector<1000x256xf32>
    %mul3A_27 = vector.broadcast %get3A_11 : vector<1000x1xf32> to vector<1000x256xf32>
    %mul3A_28 = arith.mulf %max3A_26, %mul3A_27 : vector<1000x256xf32>
    %get3A_29 = arith.constant 0 : index
    %get3A_30 = arith.constant 0 : index
    %get3A_31 = vector.load %arg5[%get3A_29, %get3A_30] : memref<256x128xf32, #tpu.memory_space<vmem>>, vector<256x128xf32>
    %dot_general3A_32 = arith.constant dense<0.000000e+00> : vector<1000x128xf32>
    %dot_general3A_33 = tpu.matmul %mul3A_28, %get3A_31, %dot_general3A_32 {dimension_numbers = #tpu.dot_dimension_numbers<[1], [0], [0], [1], [0, 0, 1, 1], [], []>, transpose_lhs_hint = false} : vector<1000x256xf32>, vector<256x128xf32>, vector<1000x128xf32> -> vector<1000x128xf32>
    %swap3A = arith.constant 0 : index
    %swap3A_34 = arith.constant 0 : index
    %swap3A_35 = vector.load %arg6[%swap3A, %swap3A_34] : memref<1000x128xf32, #tpu.memory_space<vmem>>, vector<1000x128xf32>
    tpu.vector_store %arg6[%swap3A, %swap3A_34], %dot_general3A_33 {strides = array<i32>} : memref<1000x128xf32, #tpu.memory_space<vmem>>, vector<1000x128xf32>,
    return
  }
  func.func @transform_0(%arg0: i32) -> (i32, i32, i32) {
    %c0_i32 = arith.constant 0 : i32
    %c0_i32_0 = arith.constant 0 : i32
    %c0_i32_1 = arith.constant 0 : i32
    return %c0_i32, %arg0, %c0_i32_0 : i32, i32, i32
  }
  func.func @transform_1(%arg0: i32) -> (i32, i32) {
    %c0_i32 = arith.constant 0 : i32
    %c0_i32_0 = arith.constant 0 : i32
    return %arg0, %c0_i32 : i32, i32
  }
  func.func @transform_2(%arg0: i32) -> (i32, i32) {
    %c0_i32 = arith.constant 0 : i32
    %c0_i32_0 = arith.constant 0 : i32
    %c0_i32_1 = arith.constant 0 : i32
    return %c0_i32, %c0_i32_0 : i32, i32
  }
  func.func @transform_3(%arg0: i32) -> (i32, i32) {
    %c0_i32 = arith.constant 0 : i32
    %c0_i32_0 = arith.constant 0 : i32
    %c0_i32_1 = arith.constant 0 : i32
    return %c0_i32, %c0_i32_0 : i32, i32
  }
  func.func @transform_4(%arg0: i32) -> (i32, i32) {
    %c0_i32 = arith.constant 0 : i32
    %c0_i32_0 = arith.constant 0 : i32
    %c0_i32_1 = arith.constant 0 : i32
    return %c0_i32, %c0_i32_0 : i32, i32
  }
  func.func @transform_5(%arg0: i32) -> (i32, i32) {
    %c0_i32 = arith.constant 0 : i32
    %c0_i32_0 = arith.constant 0 : i32
    return %arg0, %c0_i32 : i32, i32
  }
}

module attributes {stable_mosaic.version = 14 : i64} {
  func.func @body(%arg0: memref<2x10000x128xf32, #tpu.memory_space<vmem>>, %arg1: memref<10000x2xf32, #tpu.memory_space<vmem>>, %arg2: memref<1x128xf32, #tpu.memory_space<vmem>>, %arg3: memref<128x1xf32, #tpu.memory_space<vmem>>, %arg4: memref<1x1xf32, #tpu.memory_space<vmem>>, %arg5: memref<10000x128xf32, #tpu.memory_space<vmem>>, %arg6: memref<1x1xf32, #tpu.memory_space<vmem>>) attributes {dimension_semantics = [], scalar_prefetch = 0 : i64, scratch_operands = 0 : i64, tpu.core_type = #tpu.core_type<tc>} {
    %get3A = arith.constant 0 : index
    %get3A_0 = arith.constant 0 : index
    %get3A_1 = arith.constant 0 : index
    %get3A_2 = vector.load %arg0[%get3A, %get3A_0, %get3A_1] : memref<2x10000x128xf32, #tpu.memory_space<vmem>>, vector<1x10000x128xf32>
    %get3A_3 = vector.shape_cast %get3A_2 : vector<1x10000x128xf32> to vector<10000x128xf32>
    %get3A_4 = arith.constant 1 : index
    %get3A_5 = arith.constant 0 : index
    %get3A_6 = arith.constant 0 : index
    %get3A_7 = vector.load %arg0[%get3A_4, %get3A_5, %get3A_6] : memref<2x10000x128xf32, #tpu.memory_space<vmem>>, vector<1x10000x128xf32>
    %get3A_8 = vector.shape_cast %get3A_7 : vector<1x10000x128xf32> to vector<10000x128xf32>
    %add3A = arith.addf %get3A_3, %get3A_8 : vector<10000x128xf32>
    %get3A_9 = arith.constant 0 : index
    %get3A_10 = arith.constant 1 : index
    %get3A_11 = vector.load %arg1[%get3A_9, %get3A_10] : memref<10000x2xf32, #tpu.memory_space<vmem>>, vector<10000x1xf32>
    %mul3A = vector.broadcast %get3A_11 : vector<10000x1xf32> to vector<10000x128xf32>
    %mul3A_12 = arith.mulf %add3A, %mul3A : vector<10000x128xf32>
    %get3A_13 = arith.constant 0 : index
    %get3A_14 = arith.constant 0 : index
    %get3A_15 = vector.load %arg2[%get3A_13, %get3A_14] : memref<1x128xf32, #tpu.memory_space<vmem>>, vector<1x128xf32>
    %add3A_16 = vector.broadcast %get3A_15 : vector<1x128xf32> to vector<10000x128xf32>
    %add3A_17 = arith.addf %mul3A_12, %add3A_16 : vector<10000x128xf32>
    %max3A = arith.constant 0.000000e+00 : f32
    %max3A_18 = vector.broadcast %max3A : f32 to vector<10000x128xf32>
    %max3A_19 = arith.maximumf %add3A_17, %max3A_18 : vector<10000x128xf32>
    %swap3A = arith.constant 0 : index
    %swap3A_20 = arith.constant 0 : index
    %swap3A_21 = vector.load %arg5[%swap3A, %swap3A_20] : memref<10000x128xf32, #tpu.memory_space<vmem>>, vector<10000x128xf32>
    tpu.vector_store %arg5[%swap3A, %swap3A_20], %max3A_19 {strides = array<i32>} : memref<10000x128xf32, #tpu.memory_space<vmem>>, vector<10000x128xf32>,
    %broadcast_in_dim3A = arith.constant 9.99999974E-5 : f32
    %broadcast_in_dim3A_22 = vector.broadcast %broadcast_in_dim3A : f32 to vector<1x10000xf32>
    %dot_general3A = arith.constant dense<0.000000e+00> : vector<1x128xf32>
    %dot_general3A_23 = tpu.matmul %broadcast_in_dim3A_22, %max3A_19, %dot_general3A {dimension_numbers = #tpu.dot_dimension_numbers<[1], [0], [0], [1], [0, 0, 1, 1], [], []>, transpose_lhs_hint = false} : vector<1x10000xf32>, vector<10000x128xf32>, vector<1x128xf32> -> vector<1x128xf32>
    %get3A_24 = arith.constant 0 : index
    %get3A_25 = arith.constant 0 : index
    %get3A_26 = vector.load %arg3[%get3A_24, %get3A_25] : memref<128x1xf32, #tpu.memory_space<vmem>>, vector<128x1xf32>
    %dot_general3A_27 = arith.constant dense<0.000000e+00> : vector<1x1xf32>
    %dot_general3A_28 = tpu.matmul %dot_general3A_23, %get3A_26, %dot_general3A_27 {dimension_numbers = #tpu.dot_dimension_numbers<[1], [0], [0], [1], [0, 0, 1, 1], [], []>, transpose_lhs_hint = false} : vector<1x128xf32>, vector<128x1xf32>, vector<1x1xf32> -> vector<1x1xf32>
    %get3A_29 = arith.constant 0 : index
    %get3A_30 = arith.constant 0 : index
    %get3A_31 = vector.load %arg4[%get3A_29, %get3A_30] : memref<1x1xf32, #tpu.memory_space<vmem>>, vector<1x1xf32>
    %add3A_32 = arith.addf %dot_general3A_28, %get3A_31 : vector<1x1xf32>
    %swap3A_33 = arith.constant 0 : index
    %swap3A_34 = arith.constant 0 : index
    %swap3A_35 = vector.load %arg6[%swap3A_33, %swap3A_34] : memref<1x1xf32, #tpu.memory_space<vmem>>, vector<1x1xf32>
    tpu.vector_store %arg6[%swap3A_33, %swap3A_34], %add3A_32 {strides = array<i32>} : memref<1x1xf32, #tpu.memory_space<vmem>>, vector<1x1xf32>,
    return
  }
}

module attributes {stable_mosaic.version = 14 : i64} {
  func.func @body(%arg0: i32, %arg1: i32, %arg2: memref<512x128xf32, #tpu.memory_space<vmem>>, %arg3: memref<512x128xf32, #tpu.memory_space<vmem>>, %arg4: memref<512x512xf32, #tpu.memory_space<vmem>>) attributes {dimension_semantics = [#tpu.dimension_semantics<arbitrary>, #tpu.dimension_semantics<arbitrary>], iteration_bounds = array<i64: 20, 20>, scalar_prefetch = 0 : i64, scratch_operands = 0 : i64, tpu.core_type = #tpu.core_type<tc>, window_params = [{transform_indices = @transform_0, window_bounds = array<i64: 512, 128>}, {transform_indices = @transform_1, window_bounds = array<i64: 512, 128>}, {transform_indices = @transform_2, window_bounds = array<i64: 512, 512>}]} {
    %get3A = arith.constant 0 : index
    %get3A_0 = arith.constant 0 : index
    %get3A_1 = vector.load %arg2[%get3A, %get3A_0] : memref<512x128xf32, #tpu.memory_space<vmem>>, vector<512x128xf32>
    %get3A_2 = arith.constant 0 : index
    %get3A_3 = arith.constant 0 : index
    %get3A_4 = vector.load %arg3[%get3A_2, %get3A_3] : memref<512x128xf32, #tpu.memory_space<vmem>>, vector<512x128xf32>
    %dot_general3A = arith.constant dense<0.000000e+00> : vector<512x512xf32>
    %dot_general3A_5 = tpu.matmul %get3A_1, %get3A_4, %dot_general3A {dimension_numbers = #tpu.dot_dimension_numbers<[1], [1], [0], [0], [0, 0, 1, 0], [], []>, transpose_lhs_hint = false} : vector<512x128xf32>, vector<512x128xf32>, vector<512x512xf32> -> vector<512x512xf32>
    %mul3A = arith.constant 5.000000e-01 : f32
    %mul3A_6 = vector.broadcast %mul3A : f32 to vector<512x512xf32>
    %mul3A_7 = arith.mulf %mul3A_6, %dot_general3A_5 : vector<512x512xf32>
    %tanh3A = math.tanh %mul3A_7 : vector<512x512xf32>
    %mul3A_8 = arith.constant 5.000000e-01 : f32
    %mul3A_9 = vector.broadcast %mul3A_8 : f32 to vector<512x512xf32>
    %mul3A_10 = arith.mulf %mul3A_9, %tanh3A : vector<512x512xf32>
    %add3A = arith.constant 5.000000e-01 : f32
    %add3A_11 = vector.broadcast %add3A : f32 to vector<512x512xf32>
    %add3A_12 = arith.addf %mul3A_10, %add3A_11 : vector<512x512xf32>
    %swap3A = arith.constant 0 : index
    %swap3A_13 = arith.constant 0 : index
    %swap3A_14 = vector.load %arg4[%swap3A, %swap3A_13] : memref<512x512xf32, #tpu.memory_space<vmem>>, vector<512x512xf32>
    tpu.vector_store %arg4[%swap3A, %swap3A_13], %add3A_12 {strides = array<i32>} : memref<512x512xf32, #tpu.memory_space<vmem>>, vector<512x512xf32>,
    return
  }
  func.func @transform_0(%arg0: i32, %arg1: i32) -> (i32, i32) {
    %c0_i32 = arith.constant 0 : i32
    %c0_i32_0 = arith.constant 0 : i32
    return %arg0, %c0_i32 : i32, i32
  }
  func.func @transform_1(%arg0: i32, %arg1: i32) -> (i32, i32) {
    %c0_i32 = arith.constant 0 : i32
    %c0_i32_0 = arith.constant 0 : i32
    return %arg1, %c0_i32 : i32, i32
  }
  func.func @transform_2(%arg0: i32, %arg1: i32) -> (i32, i32) {
    %c0_i32 = arith.constant 0 : i32
    return %arg0, %arg1 : i32, i32
  }
}

</mosaic_0001>

<sc_bundles>
// kernel: kernel.12.cloned.1.call-start
scs
__scs_entry_jumppad:
0x0: {  	(pc) =	sbr.rel $0x88, $3  }
0x1: {  	(tag) =	ssettag $0x0;
	lr =	simm.s32 $0x1  }
0x2: {  	[smem:$0x3F99] =	sst lr;
	_ =	strace $0xD0000000  }
0x3: {  	_ = 	snop  }
0x4: {  	_ = 	snop  }
0x5: {  	_ = 	snop  }
0x6: {  	_ = 	snop  }
0x7: {  	_ = 	snop  }
__scs_overlays_trampoline_lowered:
0x8: {  	[smem:$0x3FA8] =	sst s0  }
0x9: {  	[smem:$0x3FA9] =	sst s1  }
0xa: {  	[smem:$0x3FAA] =	sst s2  }
0xb: {  	[smem:$0x3FAB] =	sst s3  }
0xc: {  	[smem:$0x3FAC] =	sst s4  }
0xd: {  	[smem:$0x3FAD] =	sst s5  }
0xe: {  	[smem:$0x3FAE] =	sst s6  }
0xf: {  	[smem:$0x3FAF] =	sst s7  }
0x10: {  	[smem:$0x3FB0] =	sst s8  }
0x11: {  	[smem:$0x3FB1] =	sst s9;
	s0 =	simm.s32 @!p0 $0x0  }
0x12: {  	s1 =	sld [smem:$0x3F97];
	s0 =	simm.s32 @p0 $0x1  }
0x13: {  	[smem:$0x3FB2] =	sst s0;
	s0 =	simm.s32 @!p1 $0x0  }
0x14: {  	s2 =	sld [smem:$0x3F96];
	s0 =	simm.s32 @p1 $0x1  }
0x15: {  	[smem:$0x3FB3] =	sst s0;
	s0 =	simm.s32 @!p2 $0x0  }
0x16: {  	s3 =	sld [smem:$0x3FDB];
	s0 =	simm.s32 @p2 $0x1  }
0x17: {  	s4 =	simm.s32 $0x1BF5;
	[smem:$0x3FB5] =	sst s0  }
0x18: {  	s0 =	sld [smem:$0x3F98];
	_ =	swait.ge [sflag:s4], $0x0  }
0x19: {  	s7 =	sld [smem:$0x3F99]  }
0x1a: {  	s8 =	sadd.s32 $0xFFFFE003, lr  }
0x1b: {  	s9 =	sadd.s32 $0xFFFFFEF7, lr;
	s5 =	simm.s32 $0xFFFFFFFF;
	p2 =	slt.u32 s8, $0xFFFFF086  }
0x1c: {  	p1 =	slt.u32 s9, $0xF7A;
	s5 =	simm.s32 @!p2 $0x0  }
0x1d: {  	s5 =	simm.s32 @p1 $0x1;
	p0 =	seq.s32 s7, s2  }
0x1e: {  	s7 =	smul.u32 @!p0 $0xF7A, s2;
	p2 =	seq.s32 @!p0 s5, $0x0  }
0x1f: {  	s9 =	smul.u32 $0xF7A, s1;
	s8 =	simm.s32 @!p0 $0x1BF5;
	p2 =	por !p2, p0  }
0x20: {  	[sflag:s8] =	ssyncset.s32 @!p0 $0xFFFFF086;
	s6 =	sadd.s32 @!p0 s3, s7;
	s7 =	simm.s32 @!p0 $0x108  }
0x21: {  	s3 =	sadd.s32 s3, s9;
	s6 =	sadd.s32 @!p0 $0x88, s6;
	s7 =	simm.s32 @p2 $0x1082  }
0x22: {  	[simem:s7], [sflag:s8] =	dma.local @!p0 [hbm:s6], $0xF7A  }
0x23: {  	s9 =	sor.u32 $0xD0000000, s2;
	s6 =	simm.s32 $0x108;
	_ =	swait.ge @!p0 [sflag:s8], $0x0  }
0x24: {  	s3 =	sadd.s32 $0x88, s3;
	s6 =	simm.s32 @!p1 $0x1082;
	[sflag:s4] =	ssyncset.s32 $0xFFFFF086  }
0x25: {  	[simem:s6], [sflag:s4] =	dma.local [hbm:s3], $0xF7A  }
0x26: {  	[smem:$0x3F99] =	sst s1;
	(tag) =	ssettag s2;
	_ =	strace s9  }
0x27: {  	s1 =	sld [smem:$0x3FA9]  }
0x28: {  	s2 =	sld [smem:$0x3FAA]  }
0x29: {  	s4 =	sld [smem:$0x3FAC]  }
0x2a: {  	p0 =	seq.s32 s5, $0x0;
	s5 =	sld [smem:$0x3FAD]  }
0x2b: {  	s6 =	sld [smem:$0x3FAE]  }
0x2c: {  	s7 =	sld [smem:$0x3FAF]  }
0x2d: {  	s3 =	simm.s32 $0x108;
	s8 =	sld [smem:$0x3FB0]  }
0x2e: {  	s3 =	simm.s32 @!p0 $0x1082;
	s9 =	sld [smem:$0x3FB1]  }
0x2f: {  	lr =	sadd.s32 s0, s3;
	s0 =	sld [smem:$0x3FA8]  }
0x30: {  	s3 =	sld [smem:$0x3FAB]  }
0x31: {  	[smem:$0x3FB4] =	sst s10  }
0x32: {  	s10 =	sld [smem:$0x3FB2];
	_ =	sdelay $0x3  }
0x33: {  	p0 =	seq.s32 s10, $0x1;
	s10 =	sld [smem:$0x3FB4];
	_ =	sdelay $0x3  }
0x34: {  	[smem:$0x3FB4] =	sst s10  }
0x35: {  	s10 =	sld [smem:$0x3FB3];
	_ =	sdelay $0x3  }
0x36: {  	p1 =	seq.s32 s10, $0x1;
	s10 =	sld [smem:$0x3FB4];
	_ =	sdelay $0x3  }
0x37: {  	[smem:$0x3FB4] =	sst s10  }
0x38: {  	s10 =	sld [smem:$0x3FB5]  }
0x39: {  	_ = 	snop;
	(pc) =	sbr.ind lr, $3  }
0x3a: {  	_ = 	snop  }
0x3b: {  	_ = 	snop  }
0x3c: {  	p2 =	seq.s32 s10, $0x1;
	s10 =	sld [smem:$0x3FB4]  }
0x3d: {  	_ =	shalt  }
0x3e: {  	_ =	shalt  }
0x3f: {  	_ =	shalt  }
0x40: {  	_ =	shalt  }
0x41: {  	_ =	shalt  }
0x42: {  	_ =	shalt  }
0x43: {  	_ =	shalt  }
0x44: {  	_ =	shalt  }
0x45: {  	_ =	shalt  }
0x46: {  	_ =	shalt  }
0x47: {  	_ =	shalt  }
0x48: {  	_ =	shalt  }
0x49: {  	_ =	shalt  }
0x4a: {  	_ =	shalt  }
0x4b: {  	_ =	shalt  }
0x4c: {  	_ =	shalt  }
0x4d: {  	_ =	shalt  }
0x4e: {  	_ =	shalt  }
0x4f: {  	_ =	shalt  }
0x50: {  	_ =	shalt  }
0x51: {  	_ =	shalt  }
0x52: {  	_ =	shalt  }
0x53: {  	_ =	shalt  }
0x54: {  	_ =	shalt  }
0x55: {  	_ =	shalt  }
0x56: {  	_ =	shalt  }
0x57: {  	_ =	shalt  }
0x58: {  	_ =	shalt  }
0x59: {  	_ =	shalt  }
0x5a: {  	_ =	shalt  }
0x5b: {  	_ =	shalt  }
0x5c: {  	_ =	shalt  }
0x5d: {  	_ =	shalt  }
0x5e: {  	_ =	shalt  }
0x5f: {  	_ =	shalt  }
0x60: {  	_ =	shalt  }
0x61: {  	_ =	shalt  }
0x62: {  	_ =	shalt  }
0x63: {  	_ =	shalt  }
0x64: {  	_ =	shalt  }
0x65: {  	_ =	shalt  }
0x66: {  	_ =	shalt  }
0x67: {  	_ =	shalt  }
0x68: {  	_ =	shalt  }
0x69: {  	_ =	shalt  }
0x6a: {  	_ =	shalt  }
0x6b: {  	_ =	shalt  }
0x6c: {  	_ =	shalt  }
0x6d: {  	_ =	shalt  }
0x6e: {  	_ =	shalt  }
0x6f: {  	_ =	shalt  }
0x70: {  	_ =	shalt  }
0x71: {  	_ =	shalt  }
0x72: {  	_ =	shalt  }
0x73: {  	_ =	shalt  }
0x74: {  	_ =	shalt  }
0x75: {  	_ =	shalt  }
0x76: {  	_ =	shalt  }
0x77: {  	_ =	shalt  }
0x78: {  	_ =	shalt  }
0x79: {  	_ =	shalt  }
0x7a: {  	_ =	shalt  }
0x7b: {  	_ =	shalt  }
0x7c: {  	_ =	shalt  }
0x7d: {  	_ =	shalt  }
0x7e: {  	_ =	shalt  }
0x7f: {  	_ =	shalt  }
0x80: {  	_ =	shalt  }
0x81: {  	_ =	shalt  }
0x82: {  	_ =	shalt  }
0x83: {  	_ =	shalt  }
0x84: {  	_ =	shalt  }
0x85: {  	_ =	shalt  }
0x86: {  	_ =	shalt  }
0x87: {  	_ =	shalt  }
.Lfunc_end0:
.L_simem_size_0:
called_computation.1_lowered:
.L_overlay_start_0:
0x88: {  	s2 =	sld [smem:$0x3FD9]  }
0x89: {  	s3 =	sld [smem:$0x3FFE];
	_ =	sdelay $0x1  }
0x8a: {  	s1 =	srdreg.scid  }
0x8b: {  	s0 =	sand.u32 $0x1, s1  }
0x8c: {  	s14 =	sshll.u32 s0, $0xA;
	s2 =	sadd.s32 s3, s2  }
0x8d: {  	s2 =	sadd.s32 s2, s14  }
0x8e: {  	[smem:$0x3FC0] =	sst s2  }
0x8f: {  	_ = 	snop  }
0x90: {  	s2 =	sld [smem:$0x3FD0];
	_ =	sdelay $0x2  }
0x91: {  	s15 =	simm.s32 $0xA;
	s4 =	simm.s32 $0x10  }
0x92: {  	[smem:s4], [sflag:s15] =	dma.local [hbm:s2], $0x1  }
0x93: {  	_ =	swait.eq [sflag:s15], $0x1  }
0x94: {  	[sflag:s15] =	ssyncset.done $0x0  }
0x95: {  	[sflag:s15] =	ssyncadd.s32 $0xFFFFFFFF  }
0x96: {  	s16 =	sld [smem:$0x10];
	(tm) =	ssettm $0x1  }
0x97: {  	s17 =	sld [smem:$0x3FFB];
	_ =	sdelay $0x3  }
0x98: {  	_ =	strace s17  }
0x99: {  	s3 =	sld [smem:$0x3FFC];
	_ =	sdelay $0x3  }
0x9a: {  	_ =	strace s3  }
0x9b: {  	s3 =	sld [smem:$0x3FFD];
	_ =	sdelay $0x3  }
0x9c: {  	_ =	strace s3  }
0x9d: {  	_ =	strace $0x8FFFFFFF  }
0x9e: {  	s18 =	sld [smem:$0x3FDB];
	_ =	sdelay $0x1  }
0x9f: {  	s19 =	simm.s32 $_scs_section_size  }
0xa0: {  	s5 =	simm.s32 $_size__tile_overlayer_lowered;
	s6 =	simm.s32 $_tile_overlayer_lowered  }
0xa1: {  	s22 =	simm.s32 $0x1BFF;
	s21 =	sshll.u32 s6, $0x1;
	s3 =	sadd.s32 s19, s18  }
0xa2: {  	s7 =	simm.s32 $0x0;
	s20 =	sshll.u32 s5, $0x1;
	s5 =	sadd.s32 s21, s3  }
0xa3: {  	[timem:s7], [sflag:s22] =	dma.local [hbm:s5], s20  }
0xa4: {  	_ =	swait.ge [sflag:s22], s20  }
0xa5: {  	s4 =	ssub.s32 $0x0, s20;
	[sflag:s22] =	ssyncset.done $0x0  }
0xa6: {  	[sflag:s22] =	ssyncadd.s32 s4;
	_ =	sdelay $0x1  }
0xa7: {  	s23 =	simm.s32 $0x1B8B  }
0xa8: {  	_ =	swait.ge [sflag:s23], $0x1  }
0xa9: {  	[sflag:s23] =	ssyncset.done $0x0  }
0xaa: {  	s25 =	simm.s32 $0x1B8E;
	s24 =	sld [smem:$0x3FFE];
	[sflag:s23] =	ssyncadd.s32 $0xFFFFFFFF  }
0xab: {  	s26 =	simm.s32 $execute0_lowered;
	[smem:$0x3FD2] =	sst s25  }
0xac: {  	s5 =	sshll.u32 s26, $0x1;
	_ =	strace $0x80000049;
	[dreg:$0x1] =	wrdreg $0xFFFFFFFF  }
0xad: {  	s28 =	simm.s32 $_size_execute0_lowered;
	s3 =	sadd.s32 s3, s5;
	[dreg:$0x0] =	wrdreg $0x0  }
0xae: {  	s5 =	sshll.u32 s28, $0x1;
	[dreg:$0x2] =	wrdreg s3  }
0xaf: {  	[dreg:$0x3] =	wrdreg s5  }
0xb0: {  	[dreg:$0x4] =	wrdreg $0xC0  }
0xb1: {  	_ =	task [dreg:s7], $0x5FFFF  }
0xb2: {  	[dreg:$0x1] =	wrdreg $0xFFFFFFFF  }
0xb3: {  	[dreg:$0x0] =	wrdreg $0x60  }
0xb4: {  	[dreg:$0x2] =	wrdreg s24  }
0xb5: {  	[dreg:$0x3] =	wrdreg s16  }
0xb6: {  	[dreg:$0x4] =	wrdreg $0xA8000  }
0xb7: {  	[dreg:$0x5] =	wrdreg $0x9  }
0xb8: {  	_ =	task.clear_ibuf [dreg:s7], $0x6FFFF;
	_ =	strace $0x90000049  }
0xb9: {  	s29 =	simm.s32 $0x9;
	_ =	strace $0x8000004B  }
0xba: {  	_ =	swait.ge [sflag:s29], $0x1  }
0xbb: {  	[sflag:s29] =	ssyncadd.s32 $0xFFFFFFFF  }
0xbc: {  	_ =	strace $0x9000004B  }
0xbd: {  	_ =	sfence  }
0xbe: {  	s30 =	sld [smem:$0x0];
	_ =	sdelay $0x2  }
0xbf: {  	s31 =	sshll.u32 s1, $0xD;
	s1 =	sshrl.u32 s1, $0x2  }
0xc0: {  	s3 =	sand.u32 $0x4000, s31;
	s1 =	sadd.s32 s1, s30  }
0xc1: {  	s0 =	sor.u32 s3, s0;
	s1 =	sshll.u32 s1, $0x11  }
0xc2: {  	s0 =	sor.u32 s1, s0  }
0xc3: {  	s0 =	sadd.s32 $0x8F2B, s0  }
0xc4: {  	[sflag:s0] =	ssyncadd.remote.s32 $0x1  }
0xc5: {  	_ =	sfence.sel $0xFFFF  }
0xc6: {  	[dreg:$0x0] =	wrdreg $0xFFFFFFFF;
	(pc) =	sbr.abs _section_cstart, $3  }
0xc7: {  	[dreg:$0x1] =	wrdreg $0xFFFFFFFF  }
0xc8: {  	_ =	task.clear_ibuf [dreg:s7], $0x2FFFF;
	_ =	strace $0x9FFFFFFF  }
0xc9: {  	(tm) =	ssettm $0x7FFFFFFF  }
tec
execute0_lowered:
.L_overlay_start_1:
0x0: {  	(tag) =	ssettag $0x1  }
0x1: {  	s8 =	rddreg [dreg:$0x0]  }
0x2: {  	s9 =	rddreg [dreg:$0x1]  }
0x3: {  	s1 =	rddreg [dreg:$0x2]  }
0x4: {  	s0 =	rddreg [dreg:$0x3];
	s3 =	simm.s32 $0x0;
	s4 =	srdreg.scid  }
0x5: {  	s2 =	stileid.u32;
	s17 =	simm.s32 $0x50;
	s18 =	simm.s32 $0x8000  }
0x6: {  	s19 =	simm.s32 $0x1;
	s20 =	simm.s32 $0x0;
	[smem:$0x7FF] =	sst s3  }
0x7: {  	s5 =	sand.u32 $0x1, s4;
	s6 =	sshll.u32 s2, $0xC;
	s26 =	smul.u32 $0x2700, s2  }
0x8: {  	s4 =	sadd.s32 $0x69C00, s8;
	s11 =	smul.u32 $0x4E000, s2;
	s14 =	sadd.s32 $0x124800, s1  }
0x9: {  	s29 =	smul.u32 $0x13800, s2;
	p0 =	seq.s32 s2, $0xF;
	_ =	strace $0x8000004A  }
0xa: {  	s7 =	sshll.u32 s5, $0xB;
	s10 =	ssub.s32 $0x2, s5;
	s13 =	smul.u32 $0x138800, s5  }
0xb: {  	s14 =	sshrl.u32 @p0 s14, $0x3;
	s15 =	sshll.u32 @!p0 s2, $0x6;
	s6 =	sor.u32 s7, s6  }
0xc: {  	s7 =	sadd.s32 s26, s8;
	s12 =	sshrl.u32 s10, $0x1;
	s28 =	sshrl.u32 s11, $0x2  }
0xd: {  	s15 =	sor.u32 @!p0 $0x1C02, s15;
	s6 =	sadd.s32 s6, s8;
	s12 =	ssub.s32 s10, s12  }
0xe: {  	s16 =	sadd.s32 s28, s1;
	s7 =	sadd.s32 $0x22A00, s7;
	s30 =	sadd.s32 s29, s13  }
0xf: {  	s31 =	sshrl.u32 s13, $0x3;
	s8 =	sadd.s32 $0x47300, s8;
	s13 =	simm.s32 $0x4000  }
0x10: {  	s5 =	sadd.s32 $0x59C00, s6;
	s6 =	sadd.s32 $0x49C00, s6;
	s10 =	sshrl.u32 s30, $0x3  }
0x11: {  	s11 =	sadd.s32 s9, s31;
	s16 =	sshrl.u32 @!p0 s16, $0x3;
	s9 =	sadd.s32 s9, s10  }
0x12: {  	s10 =	sadd.s32 $0x24900, s11;
	s11 =	smax.u32 s12, $0x1;
	s12 =	simm.s32 $0x2  }
.LBB2_1:
0x13: {  	[tilespmem:s3], [sflag:$0x2] =	stream.linear.gather [hbm4b:s5+s3], $0x3E80, $0x38;
	[tilespmem:$0x1E080] =	vst v63  }
0x14: {  	_ =	swait.ge [sflag:s12], $0x3E80  }
0x15: {  	[sflag:s12] =	ssyncset.done $0x0  }
0x16: {  	[sflag:s12] =	ssyncadd.s32 $0xFFFFC180  }
0x17: {  	[tilespmem:s13], [sflag:$0x2] =	stream.linear.gather [hbm4b:s6+s3], $0x3E80, $0x38;
	[tilespmem:$0x1E080] =	vst v63  }
0x18: {  	_ =	swait.ge [sflag:s12], $0x3E80  }
0x19: {  	[sflag:s12] =	ssyncset.done $0x0  }
0x1a: {  	s21 =	simm.s32 @p0 $0x1FC2;
	[sflag:s12] =	ssyncadd.s32 $0xFFFFC180  }
0x1b: {  	[spmem:s14], [sflag:s21] =	dma.local @p0 [hbm:s8], $0x2800  }
0x1c: {  	s21 =	simm.s32 @p0 $0x2  }
0x1d: {  	_ =	swait.ge @p0 [sflag:s21], $0x2800  }
0x1e: {  	[sflag:s21] =	ssyncset.done @p0 $0x0  }
0x1f: {  	[sflag:s21] =	ssyncadd.s32 @p0 $0xFFFFD800;
	s21 =	simm.s32 @!p0 $0x2  }
0x20: {  	[spmem:s16], [sflag:s15] =	dma.local @!p0 [hbm:s7], $0x2700  }
0x21: {  	_ =	swait.ge @!p0 [sflag:s21], $0x2700  }
0x22: {  	[sflag:s21] =	ssyncset.done @!p0 $0x0  }
0x23: {  	[sflag:s21] =	ssyncadd.s32 @!p0 $0xFFFFD900  }
0x24: {  	s30 =	simm.s32 $0x0;
	[bflag:$0x0] =	sbarrier.arrive $0xFFFF  }
0x25: {  	[tilespmem:s18], [sflag:$0x1] =	stream.indirect.gather [hbm4b:s4+s17], $0x80, s30, s17, $0xb8;
	[tilespmem:$0x1E080] =	vst v63  }
0x26: {  	_ =	swait.ge [sflag:s19], $0x2800  }
0x27: {  	[sflag:s19] =	ssyncset.done $0x0  }
0x28: {  	s31 =	simm.s32 $0x4000;
	[sflag:s19] =	ssyncadd.s32 $0xFFFFD800  }
0x29: {  	[spmem:s1] =	stream.indirect.scatter.add.f32 [tilespmem:s18], [sflag:$0x2], $0x80, s31, s17, $0xb8;
	[tilespmem:$0x1E080] =	vst v63  }
0x2a: {  	_ =	swait.ge [sflag:s12], $0x2800  }
0x2b: {  	s22 =	simm.s32 $0x400;
	s21 =	simm.s32 $0x200;
	[sflag:s12] =	ssyncset.done $0x0  }
.LBB2_2:
0x2c: {  	s23 =	sshra.s32 s21, $0x2  }
0x2d: {  	[sflag:s12] =	ssyncadd.s32 $0xFFFFD800;
	s21 =	smov.u32 s22;
	s24 =	sadd.s32 $0x200, s22  }
0x2e: {  	[tilespmem:s18], [sflag:$0x1] =	stream.indirect.gather [hbm4b:s4+s17], $0x80, s23, s17, $0xb8;
	[tilespmem:$0x1E080] =	vst v63  }
0x2f: {  	p1 =	sne.s32 s22, $0xF800;
	_ =	swait.ge [sflag:s19], $0x2800  }
.Ltmp0:
0x30: {  	[sflag:s19] =	ssyncset.done $0x0;
	(pc) =	sbr.rel @p1 .LBB2_2-.Ltmp0, $4  }
0x31: {  	s22 =	sadd.s32 $0x4000, s23;
	[sflag:s19] =	ssyncadd.s32 $0xFFFFD800  }
0x32: {  	[spmem:s1] =	stream.indirect.scatter.add.f32 [tilespmem:s18], [sflag:$0x2], $0x80, s22, s17, $0xb8;
	[tilespmem:$0x1E080] =	vst v63  }
0x33: {  	_ =	swait.ge [sflag:s12], $0x2800  }
0x34: {  	s22 =	smov.u32 s24;
	[sflag:s12] =	ssyncset.done $0x0  }
0x35: {  	s21 =	sshra.s32 s21, $0x2;
	[sflag:s12] =	ssyncadd.s32 $0xFFFFD800  }
0x36: {  	[tilespmem:s18], [sflag:$0x1] =	stream.indirect.gather [hbm4b:s4+s17], $0x80, s21, s17, $0xb8;
	[tilespmem:$0x1E080] =	vst v63  }
0x37: {  	_ =	swait.ge [sflag:s19], $0x2800  }
0x38: {  	[sflag:s19] =	ssyncset.done $0x0  }
0x39: {  	s21 =	sadd.s32 $0x4000, s21;
	[sflag:s19] =	ssyncadd.s32 $0xFFFFD800  }
0x3a: {  	[spmem:s1] =	stream.indirect.scatter.add.f32 [tilespmem:s18], [sflag:$0x2], $0x80, s21, s17, $0xb8;
	[tilespmem:$0x1E080] =	vst v63  }
0x3b: {  	_ =	swait.ge [sflag:s12], $0x2800  }
0x3c: {  	[sflag:s12] =	ssyncset.done $0x0  }
0x3d: {  	[sflag:s12] =	ssyncadd.s32 $0xFFFFD800  }
0x3e: {  	s21 =	simm.s32 @p0 $0x1FC2;
	[bflag:$0x0] =	sbarrier.arrive $0xFFFF  }
0x3f: {  	[hbm:s10], [sflag:s21] =	dma.local @p0 [spmem:s14], $0x2800  }
0x40: {  	s21 =	simm.s32 @p0 $0x2  }
0x41: {  	s20 =	sadd.s32 $0x1, s20;
	_ =	swait.ge @p0 [sflag:s21], $0x2800  }
0x42: {  	p1 =	sne.s32 s20, s11;
	[sflag:s21] =	ssyncset.done @p0 $0x0  }
.Ltmp1:
0x43: {  	[sflag:s21] =	ssyncadd.s32 @p0 $0xFFFFD800;
	s21 =	simm.s32 @!p0 $0x2;
	(pc) =	sbr.rel @p1 .LBB2_1-.Ltmp1, $4  }
0x44: {  	[hbm:s9], [sflag:s15] =	dma.local @!p0 [spmem:s16], $0x2700  }
0x45: {  	_ =	swait.ge @!p0 [sflag:s21], $0x2700  }
0x46: {  	[sflag:s21] =	ssyncset.done @!p0 $0x0  }
0x47: {  	[sflag:s21] =	ssyncadd.s32 @!p0 $0xFFFFD900  }
0x48: {  	_ =	sfence.sel $0x180000  }
0x49: {  	[bflag:$0x0] =	sbarrier.arrive $0xFFFF  }
0x4a: {  	p0 =	sne.s32 s2, $0x0;
	_ =	strace $0x9000004A  }
0x4b: {  	s0 =	sadd.s32 @!p0 $0x100000, s0;
	[bflag:$0x2] =	sbarrier.arrive $0xFFFF  }
0x4c: {  	[sflag:s0] =	ssyncadd.tile.s32 @!p0 $0x1;
	_ =	shalt  }
.Lfunc_end2:
_tile_overlayer_lowered:
.L_overlay_start_2:
0x4d: {  	(tag) =	ssettag $0x2  }
0x4e: {  	s0 =	rddreg [dreg:$0x0];
	s2 =	stileid.u32  }
0x4f: {  	s1 =	rddreg [dreg:$0x1];
	p0 =	sne.s32 s2, $0x0  }
0x50: {  	s3 =	rddreg [dreg:$0x2];
	[bflag:$0x3] =	sbarrier.arrive $0xFFFF;
	s2 =	simm.s32 @!p0 $0x1C02  }
0x51: {  	[timem:s3], [sflag:s2] =	dma.local @!p0 [hbm:s0], s1  }
0x52: {  	s0 =	simm.s32 @!p0 $0x2  }
0x53: {  	_ =	swait.ge @!p0 [sflag:s0], s1  }
0x54: {  	s1 =	ssub.s32 @!p0 $0x0, s1;
	[sflag:s0] =	ssyncset.done @!p0 $0x0  }
0x55: {  	[sflag:s0] =	ssyncadd.s32 @!p0 s1  }
0x56: {  	[bflag:$0x3] =	sbarrier.arrive $0xFFFF  }
0x57: {  	_ =	shalt  }

// kernel: kernel.15.cloned.1.call-start
scs
__scs_entry_jumppad:
0x0: {  	(pc) =	sbr.rel $0x88, $3  }
0x1: {  	(tag) =	ssettag $0x0;
	lr =	simm.s32 $0x1  }
0x2: {  	[smem:$0x3F99] =	sst lr;
	_ =	strace $0xD0000000  }
0x3: {  	_ = 	snop  }
0x4: {  	_ = 	snop  }
0x5: {  	_ = 	snop  }
0x6: {  	_ = 	snop  }
0x7: {  	_ = 	snop  }
__scs_overlays_trampoline_lowered:
0x8: {  	[smem:$0x3FA8] =	sst s0  }
0x9: {  	[smem:$0x3FA9] =	sst s1  }
0xa: {  	[smem:$0x3FAA] =	sst s2  }
0xb: {  	[smem:$0x3FAB] =	sst s3  }
0xc: {  	[smem:$0x3FAC] =	sst s4  }
0xd: {  	[smem:$0x3FAD] =	sst s5  }
0xe: {  	[smem:$0x3FAE] =	sst s6  }
0xf: {  	[smem:$0x3FAF] =	sst s7  }
0x10: {  	[smem:$0x3FB0] =	sst s8  }
0x11: {  	[smem:$0x3FB1] =	sst s9;
	s0 =	simm.s32 @!p0 $0x0  }
0x12: {  	s1 =	sld [smem:$0x3F97];
	s0 =	simm.s32 @p0 $0x1  }
0x13: {  	[smem:$0x3FB2] =	sst s0;
	s0 =	simm.s32 @!p1 $0x0  }
0x14: {  	s2 =	sld [smem:$0x3F96];
	s0 =	simm.s32 @p1 $0x1  }
0x15: {  	[smem:$0x3FB3] =	sst s0;
	s0 =	simm.s32 @!p2 $0x0  }
0x16: {  	s3 =	sld [smem:$0x3FDB];
	s0 =	simm.s32 @p2 $0x1  }
0x17: {  	s4 =	simm.s32 $0x1BF5;
	[smem:$0x3FB5] =	sst s0  }
0x18: {  	s0 =	sld [smem:$0x3F98];
	_ =	swait.ge [sflag:s4], $0x0  }
0x19: {  	s7 =	sld [smem:$0x3F99]  }
0x1a: {  	s8 =	sadd.s32 $0xFFFFE003, lr  }
0x1b: {  	s9 =	sadd.s32 $0xFFFFFEF7, lr;
	s5 =	simm.s32 $0xFFFFFFFF;
	p2 =	slt.u32 s8, $0xFFFFF086  }
0x1c: {  	p1 =	slt.u32 s9, $0xF7A;
	s5 =	simm.s32 @!p2 $0x0  }
0x1d: {  	s5 =	simm.s32 @p1 $0x1;
	p0 =	seq.s32 s7, s2  }
0x1e: {  	s7 =	smul.u32 @!p0 $0xF7A, s2;
	p2 =	seq.s32 @!p0 s5, $0x0  }
0x1f: {  	s9 =	smul.u32 $0xF7A, s1;
	s8 =	simm.s32 @!p0 $0x1BF5;
	p2 =	por !p2, p0  }
0x20: {  	[sflag:s8] =	ssyncset.s32 @!p0 $0xFFFFF086;
	s6 =	sadd.s32 @!p0 s3, s7;
	s7 =	simm.s32 @!p0 $0x108  }
0x21: {  	s3 =	sadd.s32 s3, s9;
	s6 =	sadd.s32 @!p0 $0x88, s6;
	s7 =	simm.s32 @p2 $0x1082  }
0x22: {  	[simem:s7], [sflag:s8] =	dma.local @!p0 [hbm:s6], $0xF7A  }
0x23: {  	s9 =	sor.u32 $0xD0000000, s2;
	s6 =	simm.s32 $0x108;
	_ =	swait.ge @!p0 [sflag:s8], $0x0  }
0x24: {  	s3 =	sadd.s32 $0x88, s3;
	s6 =	simm.s32 @!p1 $0x1082;
	[sflag:s4] =	ssyncset.s32 $0xFFFFF086  }
0x25: {  	[simem:s6], [sflag:s4] =	dma.local [hbm:s3], $0xF7A  }
0x26: {  	[smem:$0x3F99] =	sst s1;
	(tag) =	ssettag s2;
	_ =	strace s9  }
0x27: {  	s1 =	sld [smem:$0x3FA9]  }
0x28: {  	s2 =	sld [smem:$0x3FAA]  }
0x29: {  	s4 =	sld [smem:$0x3FAC]  }
0x2a: {  	p0 =	seq.s32 s5, $0x0;
	s5 =	sld [smem:$0x3FAD]  }
0x2b: {  	s6 =	sld [smem:$0x3FAE]  }
0x2c: {  	s7 =	sld [smem:$0x3FAF]  }
0x2d: {  	s3 =	simm.s32 $0x108;
	s8 =	sld [smem:$0x3FB0]  }
0x2e: {  	s3 =	simm.s32 @!p0 $0x1082;
	s9 =	sld [smem:$0x3FB1]  }
0x2f: {  	lr =	sadd.s32 s0, s3;
	s0 =	sld [smem:$0x3FA8]  }
0x30: {  	s3 =	sld [smem:$0x3FAB]  }
0x31: {  	[smem:$0x3FB4] =	sst s10  }
0x32: {  	s10 =	sld [smem:$0x3FB2];
	_ =	sdelay $0x3  }
0x33: {  	p0 =	seq.s32 s10, $0x1;
	s10 =	sld [smem:$0x3FB4];
	_ =	sdelay $0x3  }
0x34: {  	[smem:$0x3FB4] =	sst s10  }
0x35: {  	s10 =	sld [smem:$0x3FB3];
	_ =	sdelay $0x3  }
0x36: {  	p1 =	seq.s32 s10, $0x1;
	s10 =	sld [smem:$0x3FB4];
	_ =	sdelay $0x3  }
0x37: {  	[smem:$0x3FB4] =	sst s10  }
0x38: {  	s10 =	sld [smem:$0x3FB5]  }
0x39: {  	_ = 	snop;
	(pc) =	sbr.ind lr, $3  }
0x3a: {  	_ = 	snop  }
0x3b: {  	_ = 	snop  }
0x3c: {  	p2 =	seq.s32 s10, $0x1;
	s10 =	sld [smem:$0x3FB4]  }
0x3d: {  	_ =	shalt  }
0x3e: {  	_ =	shalt  }
0x3f: {  	_ =	shalt  }
0x40: {  	_ =	shalt  }
0x41: {  	_ =	shalt  }
0x42: {  	_ =	shalt  }
0x43: {  	_ =	shalt  }
0x44: {  	_ =	shalt  }
0x45: {  	_ =	shalt  }
0x46: {  	_ =	shalt  }
0x47: {  	_ =	shalt  }
0x48: {  	_ =	shalt  }
0x49: {  	_ =	shalt  }
0x4a: {  	_ =	shalt  }
0x4b: {  	_ =	shalt  }
0x4c: {  	_ =	shalt  }
0x4d: {  	_ =	shalt  }
0x4e: {  	_ =	shalt  }
0x4f: {  	_ =	shalt  }
0x50: {  	_ =	shalt  }
0x51: {  	_ =	shalt  }
0x52: {  	_ =	shalt  }
0x53: {  	_ =	shalt  }
0x54: {  	_ =	shalt  }
0x55: {  	_ =	shalt  }
0x56: {  	_ =	shalt  }
0x57: {  	_ =	shalt  }
0x58: {  	_ =	shalt  }
0x59: {  	_ =	shalt  }
0x5a: {  	_ =	shalt  }
0x5b: {  	_ =	shalt  }
0x5c: {  	_ =	shalt  }
0x5d: {  	_ =	shalt  }
0x5e: {  	_ =	shalt  }
0x5f: {  	_ =	shalt  }
0x60: {  	_ =	shalt  }
0x61: {  	_ =	shalt  }
0x62: {  	_ =	shalt  }
0x63: {  	_ =	shalt  }
0x64: {  	_ =	shalt  }
0x65: {  	_ =	shalt  }
0x66: {  	_ =	shalt  }
0x67: {  	_ =	shalt  }
0x68: {  	_ =	shalt  }
0x69: {  	_ =	shalt  }
0x6a: {  	_ =	shalt  }
0x6b: {  	_ =	shalt  }
0x6c: {  	_ =	shalt  }
0x6d: {  	_ =	shalt  }
0x6e: {  	_ =	shalt  }
0x6f: {  	_ =	shalt  }
0x70: {  	_ =	shalt  }
0x71: {  	_ =	shalt  }
0x72: {  	_ =	shalt  }
0x73: {  	_ =	shalt  }
0x74: {  	_ =	shalt  }
0x75: {  	_ =	shalt  }
0x76: {  	_ =	shalt  }
0x77: {  	_ =	shalt  }
0x78: {  	_ =	shalt  }
0x79: {  	_ =	shalt  }
0x7a: {  	_ =	shalt  }
0x7b: {  	_ =	shalt  }
0x7c: {  	_ =	shalt  }
0x7d: {  	_ =	shalt  }
0x7e: {  	_ =	shalt  }
0x7f: {  	_ =	shalt  }
0x80: {  	_ =	shalt  }
0x81: {  	_ =	shalt  }
0x82: {  	_ =	shalt  }
0x83: {  	_ =	shalt  }
0x84: {  	_ =	shalt  }
0x85: {  	_ =	shalt  }
0x86: {  	_ =	shalt  }
0x87: {  	_ =	shalt  }
.Lfunc_end0:
.L_simem_size_0:
called_computation.2_lowered:
.L_overlay_start_0:
0x88: {  	s2 =	sld [smem:$0x3FD9]  }
0x89: {  	s3 =	sld [smem:$0x3FFE];
	_ =	sdelay $0x1  }
0x8a: {  	s1 =	srdreg.scid  }
0x8b: {  	s0 =	sand.u32 $0x1, s1  }
0x8c: {  	s14 =	sshll.u32 s0, $0xA;
	s2 =	sadd.s32 s3, s2  }
0x8d: {  	s2 =	sadd.s32 s2, s14  }
0x8e: {  	[smem:$0x3FC0] =	sst s2  }
0x8f: {  	_ = 	snop  }
0x90: {  	s2 =	sld [smem:$0x3FD0];
	_ =	sdelay $0x2  }
0x91: {  	s15 =	simm.s32 $0xA;
	s4 =	simm.s32 $0x10  }
0x92: {  	[smem:s4], [sflag:s15] =	dma.local [hbm:s2], $0x1  }
0x93: {  	_ =	swait.eq [sflag:s15], $0x1  }
0x94: {  	[sflag:s15] =	ssyncset.done $0x0  }
0x95: {  	[sflag:s15] =	ssyncadd.s32 $0xFFFFFFFF  }
0x96: {  	s16 =	sld [smem:$0x10];
	(tm) =	ssettm $0x1  }
0x97: {  	s17 =	sld [smem:$0x3FFB];
	_ =	sdelay $0x3  }
0x98: {  	_ =	strace s17  }
0x99: {  	s3 =	sld [smem:$0x3FFC];
	_ =	sdelay $0x3  }
0x9a: {  	_ =	strace s3  }
0x9b: {  	s3 =	sld [smem:$0x3FFD];
	_ =	sdelay $0x3  }
0x9c: {  	_ =	strace s3  }
0x9d: {  	_ =	strace $0x8FFFFFFF  }
0x9e: {  	s18 =	sld [smem:$0x3FDB];
	_ =	sdelay $0x1  }
0x9f: {  	s19 =	simm.s32 $_scs_section_size  }
0xa0: {  	s5 =	simm.s32 $_size__tile_overlayer_lowered;
	s6 =	simm.s32 $_tile_overlayer_lowered  }
0xa1: {  	s22 =	simm.s32 $0x1BFF;
	s21 =	sshll.u32 s6, $0x1;
	s3 =	sadd.s32 s19, s18  }
0xa2: {  	s7 =	simm.s32 $0x0;
	s20 =	sshll.u32 s5, $0x1;
	s5 =	sadd.s32 s21, s3  }
0xa3: {  	[timem:s7], [sflag:s22] =	dma.local [hbm:s5], s20  }
0xa4: {  	_ =	swait.ge [sflag:s22], s20  }
0xa5: {  	s4 =	ssub.s32 $0x0, s20;
	[sflag:s22] =	ssyncset.done $0x0  }
0xa6: {  	[sflag:s22] =	ssyncadd.s32 s4;
	_ =	sdelay $0x1  }
0xa7: {  	s23 =	simm.s32 $0x1B8B  }
0xa8: {  	_ =	swait.ge [sflag:s23], $0x1  }
0xa9: {  	[sflag:s23] =	ssyncset.done $0x0  }
0xaa: {  	s25 =	simm.s32 $0x1B8E;
	s24 =	sld [smem:$0x3FFE];
	[sflag:s23] =	ssyncadd.s32 $0xFFFFFFFF  }
0xab: {  	s26 =	simm.s32 $execute0_lowered;
	[smem:$0x3FD2] =	sst s25  }
0xac: {  	s5 =	sshll.u32 s26, $0x1;
	_ =	strace $0x8000004C;
	[dreg:$0x1] =	wrdreg $0xFFFFFFFF  }
0xad: {  	s28 =	simm.s32 $_size_execute0_lowered;
	s3 =	sadd.s32 s3, s5;
	[dreg:$0x0] =	wrdreg $0x0  }
0xae: {  	s5 =	sshll.u32 s28, $0x1;
	[dreg:$0x2] =	wrdreg s3  }
0xaf: {  	[dreg:$0x3] =	wrdreg s5  }
0xb0: {  	[dreg:$0x4] =	wrdreg $0xC0  }
0xb1: {  	_ =	task [dreg:s7], $0x5FFFF  }
0xb2: {  	[dreg:$0x1] =	wrdreg $0xFFFFFFFF  }
0xb3: {  	[dreg:$0x0] =	wrdreg $0x60  }
0xb4: {  	[dreg:$0x2] =	wrdreg s24  }
0xb5: {  	[dreg:$0x3] =	wrdreg s16  }
0xb6: {  	[dreg:$0x4] =	wrdreg $0xA8000  }
0xb7: {  	[dreg:$0x5] =	wrdreg $0x9  }
0xb8: {  	_ =	task.clear_ibuf [dreg:s7], $0x6FFFF;
	_ =	strace $0x9000004C  }
0xb9: {  	s29 =	simm.s32 $0x9;
	_ =	strace $0x8000004E  }
0xba: {  	_ =	swait.ge [sflag:s29], $0x1  }
0xbb: {  	[sflag:s29] =	ssyncadd.s32 $0xFFFFFFFF  }
0xbc: {  	_ =	strace $0x9000004E  }
0xbd: {  	_ =	sfence  }
0xbe: {  	s30 =	sld [smem:$0x0];
	_ =	sdelay $0x2  }
0xbf: {  	s31 =	sshll.u32 s1, $0xD;
	s1 =	sshrl.u32 s1, $0x2  }
0xc0: {  	s3 =	sand.u32 $0x4000, s31;
	s1 =	sadd.s32 s1, s30  }
0xc1: {  	s0 =	sor.u32 s3, s0;
	s1 =	sshll.u32 s1, $0x11  }
0xc2: {  	s0 =	sor.u32 s1, s0  }
0xc3: {  	s0 =	sadd.s32 $0x8F2B, s0  }
0xc4: {  	[sflag:s0] =	ssyncadd.remote.s32 $0x1  }
0xc5: {  	_ =	sfence.sel $0xFFFF  }
0xc6: {  	[dreg:$0x0] =	wrdreg $0xFFFFFFFF;
	(pc) =	sbr.abs _section_cstart, $3  }
0xc7: {  	[dreg:$0x1] =	wrdreg $0xFFFFFFFF  }
0xc8: {  	_ =	task.clear_ibuf [dreg:s7], $0x2FFFF;
	_ =	strace $0x9FFFFFFF  }
0xc9: {  	(tm) =	ssettm $0x7FFFFFFF  }
tec
execute0_lowered:
.L_overlay_start_1:
0x0: {  	(tag) =	ssettag $0x1  }
0x1: {  	s8 =	rddreg [dreg:$0x0]  }
0x2: {  	s9 =	rddreg [dreg:$0x1]  }
0x3: {  	s1 =	rddreg [dreg:$0x2]  }
0x4: {  	s0 =	rddreg [dreg:$0x3];
	s3 =	simm.s32 $0x0;
	s4 =	srdreg.scid  }
0x5: {  	s2 =	stileid.u32;
	s17 =	simm.s32 $0x50;
	s18 =	simm.s32 $0x8000  }
0x6: {  	s19 =	simm.s32 $0x1;
	s20 =	simm.s32 $0x0;
	[smem:$0x7FF] =	sst s3  }
0x7: {  	s5 =	sand.u32 $0x1, s4;
	s6 =	sshll.u32 s2, $0xC;
	s26 =	smul.u32 $0x2700, s2  }
0x8: {  	s4 =	sadd.s32 $0x69C00, s8;
	s11 =	smul.u32 $0x4E000, s2;
	s14 =	sadd.s32 $0x124800, s1  }
0x9: {  	s29 =	smul.u32 $0x13800, s2;
	p0 =	seq.s32 s2, $0xF;
	_ =	strace $0x8000004D  }
0xa: {  	s7 =	sshll.u32 s5, $0xB;
	s10 =	ssub.s32 $0x2, s5;
	s13 =	smul.u32 $0x138800, s5  }
0xb: {  	s14 =	sshrl.u32 @p0 s14, $0x3;
	s15 =	sshll.u32 @!p0 s2, $0x6;
	s6 =	sor.u32 s7, s6  }
0xc: {  	s7 =	sadd.s32 s26, s8;
	s12 =	sshrl.u32 s10, $0x1;
	s28 =	sshrl.u32 s11, $0x2  }
0xd: {  	s15 =	sor.u32 @!p0 $0x1C02, s15;
	s6 =	sadd.s32 s6, s8;
	s12 =	ssub.s32 s10, s12  }
0xe: {  	s16 =	sadd.s32 s28, s1;
	s7 =	sadd.s32 $0x22A00, s7;
	s30 =	sadd.s32 s29, s13  }
0xf: {  	s31 =	sshrl.u32 s13, $0x3;
	s8 =	sadd.s32 $0x47300, s8;
	s13 =	simm.s32 $0x4000  }
0x10: {  	s5 =	sadd.s32 $0x59C00, s6;
	s6 =	sadd.s32 $0x49C00, s6;
	s10 =	sshrl.u32 s30, $0x3  }
0x11: {  	s11 =	sadd.s32 s9, s31;
	s16 =	sshrl.u32 @!p0 s16, $0x3;
	s9 =	sadd.s32 s9, s10  }
0x12: {  	s10 =	sadd.s32 $0x24900, s11;
	s11 =	smax.u32 s12, $0x1;
	s12 =	simm.s32 $0x2  }
.LBB2_1:
0x13: {  	[tilespmem:s3], [sflag:$0x2] =	stream.linear.gather [hbm4b:s5+s3], $0x3E80, $0x38;
	[tilespmem:$0x1E080] =	vst v63  }
0x14: {  	_ =	swait.ge [sflag:s12], $0x3E80  }
0x15: {  	[sflag:s12] =	ssyncset.done $0x0  }
0x16: {  	[sflag:s12] =	ssyncadd.s32 $0xFFFFC180  }
0x17: {  	[tilespmem:s13], [sflag:$0x2] =	stream.linear.gather [hbm4b:s6+s3], $0x3E80, $0x38;
	[tilespmem:$0x1E080] =	vst v63  }
0x18: {  	_ =	swait.ge [sflag:s12], $0x3E80  }
0x19: {  	[sflag:s12] =	ssyncset.done $0x0  }
0x1a: {  	s21 =	simm.s32 @p0 $0x1FC2;
	[sflag:s12] =	ssyncadd.s32 $0xFFFFC180  }
0x1b: {  	[spmem:s14], [sflag:s21] =	dma.local @p0 [hbm:s8], $0x2800  }
0x1c: {  	s21 =	simm.s32 @p0 $0x2  }
0x1d: {  	_ =	swait.ge @p0 [sflag:s21], $0x2800  }
0x1e: {  	[sflag:s21] =	ssyncset.done @p0 $0x0  }
0x1f: {  	[sflag:s21] =	ssyncadd.s32 @p0 $0xFFFFD800;
	s21 =	simm.s32 @!p0 $0x2  }
0x20: {  	[spmem:s16], [sflag:s15] =	dma.local @!p0 [hbm:s7], $0x2700  }
0x21: {  	_ =	swait.ge @!p0 [sflag:s21], $0x2700  }
0x22: {  	[sflag:s21] =	ssyncset.done @!p0 $0x0  }
0x23: {  	[sflag:s21] =	ssyncadd.s32 @!p0 $0xFFFFD900  }
0x24: {  	s30 =	simm.s32 $0x0;
	[bflag:$0x0] =	sbarrier.arrive $0xFFFF  }
0x25: {  	[tilespmem:s18], [sflag:$0x1] =	stream.indirect.gather [hbm4b:s4+s17], $0x80, s30, s17, $0xb8;
	[tilespmem:$0x1E080] =	vst v63  }
0x26: {  	_ =	swait.ge [sflag:s19], $0x2800  }
0x27: {  	[sflag:s19] =	ssyncset.done $0x0  }
0x28: {  	s31 =	simm.s32 $0x4000;
	[sflag:s19] =	ssyncadd.s32 $0xFFFFD800  }
0x29: {  	[spmem:s1] =	stream.indirect.scatter.add.f32 [tilespmem:s18], [sflag:$0x2], $0x80, s31, s17, $0xb8;
	[tilespmem:$0x1E080] =	vst v63  }
0x2a: {  	_ =	swait.ge [sflag:s12], $0x2800  }
0x2b: {  	s22 =	simm.s32 $0x400;
	s21 =	simm.s32 $0x200;
	[sflag:s12] =	ssyncset.done $0x0  }
.LBB2_2:
0x2c: {  	s23 =	sshra.s32 s21, $0x2  }
0x2d: {  	[sflag:s12] =	ssyncadd.s32 $0xFFFFD800;
	s21 =	smov.u32 s22;
	s24 =	sadd.s32 $0x200, s22  }
0x2e: {  	[tilespmem:s18], [sflag:$0x1] =	stream.indirect.gather [hbm4b:s4+s17], $0x80, s23, s17, $0xb8;
	[tilespmem:$0x1E080] =	vst v63  }
0x2f: {  	p1 =	sne.s32 s22, $0xF800;
	_ =	swait.ge [sflag:s19], $0x2800  }
.Ltmp0:
0x30: {  	[sflag:s19] =	ssyncset.done $0x0;
	(pc) =	sbr.rel @p1 .LBB2_2-.Ltmp0, $4  }
0x31: {  	s22 =	sadd.s32 $0x4000, s23;
	[sflag:s19] =	ssyncadd.s32 $0xFFFFD800  }
0x32: {  	[spmem:s1] =	stream.indirect.scatter.add.f32 [tilespmem:s18], [sflag:$0x2], $0x80, s22, s17, $0xb8;
	[tilespmem:$0x1E080] =	vst v63  }
0x33: {  	_ =	swait.ge [sflag:s12], $0x2800  }
0x34: {  	s22 =	smov.u32 s24;
	[sflag:s12] =	ssyncset.done $0x0  }
0x35: {  	s21 =	sshra.s32 s21, $0x2;
	[sflag:s12] =	ssyncadd.s32 $0xFFFFD800  }
0x36: {  	[tilespmem:s18], [sflag:$0x1] =	stream.indirect.gather [hbm4b:s4+s17], $0x80, s21, s17, $0xb8;
	[tilespmem:$0x1E080] =	vst v63  }
0x37: {  	_ =	swait.ge [sflag:s19], $0x2800  }
0x38: {  	[sflag:s19] =	ssyncset.done $0x0  }
0x39: {  	s21 =	sadd.s32 $0x4000, s21;
	[sflag:s19] =	ssyncadd.s32 $0xFFFFD800  }
0x3a: {  	[spmem:s1] =	stream.indirect.scatter.add.f32 [tilespmem:s18], [sflag:$0x2], $0x80, s21, s17, $0xb8;
	[tilespmem:$0x1E080] =	vst v63  }
0x3b: {  	_ =	swait.ge [sflag:s12], $0x2800  }
0x3c: {  	[sflag:s12] =	ssyncset.done $0x0  }
0x3d: {  	[sflag:s12] =	ssyncadd.s32 $0xFFFFD800  }
0x3e: {  	s21 =	simm.s32 @p0 $0x1FC2;
	[bflag:$0x0] =	sbarrier.arrive $0xFFFF  }
0x3f: {  	[hbm:s10], [sflag:s21] =	dma.local @p0 [spmem:s14], $0x2800  }
0x40: {  	s21 =	simm.s32 @p0 $0x2  }
0x41: {  	s20 =	sadd.s32 $0x1, s20;
	_ =	swait.ge @p0 [sflag:s21], $0x2800  }
0x42: {  	p1 =	sne.s32 s20, s11;
	[sflag:s21] =	ssyncset.done @p0 $0x0  }
.Ltmp1:
0x43: {  	[sflag:s21] =	ssyncadd.s32 @p0 $0xFFFFD800;
	s21 =	simm.s32 @!p0 $0x2;
	(pc) =	sbr.rel @p1 .LBB2_1-.Ltmp1, $4  }
0x44: {  	[hbm:s9], [sflag:s15] =	dma.local @!p0 [spmem:s16], $0x2700  }
0x45: {  	_ =	swait.ge @!p0 [sflag:s21], $0x2700  }
0x46: {  	[sflag:s21] =	ssyncset.done @!p0 $0x0  }
0x47: {  	[sflag:s21] =	ssyncadd.s32 @!p0 $0xFFFFD900  }
0x48: {  	_ =	sfence.sel $0x180000  }
0x49: {  	[bflag:$0x0] =	sbarrier.arrive $0xFFFF  }
0x4a: {  	p0 =	sne.s32 s2, $0x0;
	_ =	strace $0x9000004D  }
0x4b: {  	s0 =	sadd.s32 @!p0 $0x100000, s0;
	[bflag:$0x2] =	sbarrier.arrive $0xFFFF  }
0x4c: {  	[sflag:s0] =	ssyncadd.tile.s32 @!p0 $0x1;
	_ =	shalt  }
.Lfunc_end2:
_tile_overlayer_lowered:
.L_overlay_start_2:
0x4d: {  	(tag) =	ssettag $0x2  }
0x4e: {  	s0 =	rddreg [dreg:$0x0];
	s2 =	stileid.u32  }
0x4f: {  	s1 =	rddreg [dreg:$0x1];
	p0 =	sne.s32 s2, $0x0  }
0x50: {  	s3 =	rddreg [dreg:$0x2];
	[bflag:$0x3] =	sbarrier.arrive $0xFFFF;
	s2 =	simm.s32 @!p0 $0x1C02  }
0x51: {  	[timem:s3], [sflag:s2] =	dma.local @!p0 [hbm:s0], s1  }
0x52: {  	s0 =	simm.s32 @!p0 $0x2  }
0x53: {  	_ =	swait.ge @!p0 [sflag:s0], s1  }
0x54: {  	s1 =	ssub.s32 @!p0 $0x0, s1;
	[sflag:s0] =	ssyncset.done @!p0 $0x0  }
0x55: {  	[sflag:s0] =	ssyncadd.s32 @!p0 s1  }
0x56: {  	[bflag:$0x3] =	sbarrier.arrive $0xFFFF  }
0x57: {  	_ =	shalt  }

// kernel: kernel.9.cloned.1.call-start
scs
__scs_entry_jumppad:
0x0: {  	(pc) =	sbr.rel $0x88, $3  }
0x1: {  	(tag) =	ssettag $0x0;
	lr =	simm.s32 $0x1  }
0x2: {  	[smem:$0x3F99] =	sst lr;
	_ =	strace $0xD0000000  }
0x3: {  	_ = 	snop  }
0x4: {  	_ = 	snop  }
0x5: {  	_ = 	snop  }
0x6: {  	_ = 	snop  }
0x7: {  	_ = 	snop  }
__scs_overlays_trampoline_lowered:
0x8: {  	[smem:$0x3FA8] =	sst s0  }
0x9: {  	[smem:$0x3FA9] =	sst s1  }
0xa: {  	[smem:$0x3FAA] =	sst s2  }
0xb: {  	[smem:$0x3FAB] =	sst s3  }
0xc: {  	[smem:$0x3FAC] =	sst s4  }
0xd: {  	[smem:$0x3FAD] =	sst s5  }
0xe: {  	[smem:$0x3FAE] =	sst s6  }
0xf: {  	[smem:$0x3FAF] =	sst s7  }
0x10: {  	[smem:$0x3FB0] =	sst s8  }
0x11: {  	[smem:$0x3FB1] =	sst s9;
	s0 =	simm.s32 @!p0 $0x0  }
0x12: {  	s1 =	sld [smem:$0x3F97];
	s0 =	simm.s32 @p0 $0x1  }
0x13: {  	[smem:$0x3FB2] =	sst s0;
	s0 =	simm.s32 @!p1 $0x0  }
0x14: {  	s2 =	sld [smem:$0x3F96];
	s0 =	simm.s32 @p1 $0x1  }
0x15: {  	[smem:$0x3FB3] =	sst s0;
	s0 =	simm.s32 @!p2 $0x0  }
0x16: {  	s3 =	sld [smem:$0x3FDB];
	s0 =	simm.s32 @p2 $0x1  }
0x17: {  	s4 =	simm.s32 $0x1BF5;
	[smem:$0x3FB5] =	sst s0  }
0x18: {  	s0 =	sld [smem:$0x3F98];
	_ =	swait.ge [sflag:s4], $0x0  }
0x19: {  	s7 =	sld [smem:$0x3F99]  }
0x1a: {  	s8 =	sadd.s32 $0xFFFFE003, lr  }
0x1b: {  	s9 =	sadd.s32 $0xFFFFFEF7, lr;
	s5 =	simm.s32 $0xFFFFFFFF;
	p2 =	slt.u32 s8, $0xFFFFF086  }
0x1c: {  	p1 =	slt.u32 s9, $0xF7A;
	s5 =	simm.s32 @!p2 $0x0  }
0x1d: {  	s5 =	simm.s32 @p1 $0x1;
	p0 =	seq.s32 s7, s2  }
0x1e: {  	s7 =	smul.u32 @!p0 $0xF7A, s2;
	p2 =	seq.s32 @!p0 s5, $0x0  }
0x1f: {  	s9 =	smul.u32 $0xF7A, s1;
	s8 =	simm.s32 @!p0 $0x1BF5;
	p2 =	por !p2, p0  }
0x20: {  	[sflag:s8] =	ssyncset.s32 @!p0 $0xFFFFF086;
	s6 =	sadd.s32 @!p0 s3, s7;
	s7 =	simm.s32 @!p0 $0x108  }
0x21: {  	s3 =	sadd.s32 s3, s9;
	s6 =	sadd.s32 @!p0 $0x88, s6;
	s7 =	simm.s32 @p2 $0x1082  }
0x22: {  	[simem:s7], [sflag:s8] =	dma.local @!p0 [hbm:s6], $0xF7A  }
0x23: {  	s9 =	sor.u32 $0xD0000000, s2;
	s6 =	simm.s32 $0x108;
	_ =	swait.ge @!p0 [sflag:s8], $0x0  }
0x24: {  	s3 =	sadd.s32 $0x88, s3;
	s6 =	simm.s32 @!p1 $0x1082;
	[sflag:s4] =	ssyncset.s32 $0xFFFFF086  }
0x25: {  	[simem:s6], [sflag:s4] =	dma.local [hbm:s3], $0xF7A  }
0x26: {  	[smem:$0x3F99] =	sst s1;
	(tag) =	ssettag s2;
	_ =	strace s9  }
0x27: {  	s1 =	sld [smem:$0x3FA9]  }
0x28: {  	s2 =	sld [smem:$0x3FAA]  }
0x29: {  	s4 =	sld [smem:$0x3FAC]  }
0x2a: {  	p0 =	seq.s32 s5, $0x0;
	s5 =	sld [smem:$0x3FAD]  }
0x2b: {  	s6 =	sld [smem:$0x3FAE]  }
0x2c: {  	s7 =	sld [smem:$0x3FAF]  }
0x2d: {  	s3 =	simm.s32 $0x108;
	s8 =	sld [smem:$0x3FB0]  }
0x2e: {  	s3 =	simm.s32 @!p0 $0x1082;
	s9 =	sld [smem:$0x3FB1]  }
0x2f: {  	lr =	sadd.s32 s0, s3;
	s0 =	sld [smem:$0x3FA8]  }
0x30: {  	s3 =	sld [smem:$0x3FAB]  }
0x31: {  	[smem:$0x3FB4] =	sst s10  }
0x32: {  	s10 =	sld [smem:$0x3FB2];
	_ =	sdelay $0x3  }
0x33: {  	p0 =	seq.s32 s10, $0x1;
	s10 =	sld [smem:$0x3FB4];
	_ =	sdelay $0x3  }
0x34: {  	[smem:$0x3FB4] =	sst s10  }
0x35: {  	s10 =	sld [smem:$0x3FB3];
	_ =	sdelay $0x3  }
0x36: {  	p1 =	seq.s32 s10, $0x1;
	s10 =	sld [smem:$0x3FB4];
	_ =	sdelay $0x3  }
0x37: {  	[smem:$0x3FB4] =	sst s10  }
0x38: {  	s10 =	sld [smem:$0x3FB5]  }
0x39: {  	_ = 	snop;
	(pc) =	sbr.ind lr, $3  }
0x3a: {  	_ = 	snop  }
0x3b: {  	_ = 	snop  }
0x3c: {  	p2 =	seq.s32 s10, $0x1;
	s10 =	sld [smem:$0x3FB4]  }
0x3d: {  	_ =	shalt  }
0x3e: {  	_ =	shalt  }
0x3f: {  	_ =	shalt  }
0x40: {  	_ =	shalt  }
0x41: {  	_ =	shalt  }
0x42: {  	_ =	shalt  }
0x43: {  	_ =	shalt  }
0x44: {  	_ =	shalt  }
0x45: {  	_ =	shalt  }
0x46: {  	_ =	shalt  }
0x47: {  	_ =	shalt  }
0x48: {  	_ =	shalt  }
0x49: {  	_ =	shalt  }
0x4a: {  	_ =	shalt  }
0x4b: {  	_ =	shalt  }
0x4c: {  	_ =	shalt  }
0x4d: {  	_ =	shalt  }
0x4e: {  	_ =	shalt  }
0x4f: {  	_ =	shalt  }
0x50: {  	_ =	shalt  }
0x51: {  	_ =	shalt  }
0x52: {  	_ =	shalt  }
0x53: {  	_ =	shalt  }
0x54: {  	_ =	shalt  }
0x55: {  	_ =	shalt  }
0x56: {  	_ =	shalt  }
0x57: {  	_ =	shalt  }
0x58: {  	_ =	shalt  }
0x59: {  	_ =	shalt  }
0x5a: {  	_ =	shalt  }
0x5b: {  	_ =	shalt  }
0x5c: {  	_ =	shalt  }
0x5d: {  	_ =	shalt  }
0x5e: {  	_ =	shalt  }
0x5f: {  	_ =	shalt  }
0x60: {  	_ =	shalt  }
0x61: {  	_ =	shalt  }
0x62: {  	_ =	shalt  }
0x63: {  	_ =	shalt  }
0x64: {  	_ =	shalt  }
0x65: {  	_ =	shalt  }
0x66: {  	_ =	shalt  }
0x67: {  	_ =	shalt  }
0x68: {  	_ =	shalt  }
0x69: {  	_ =	shalt  }
0x6a: {  	_ =	shalt  }
0x6b: {  	_ =	shalt  }
0x6c: {  	_ =	shalt  }
0x6d: {  	_ =	shalt  }
0x6e: {  	_ =	shalt  }
0x6f: {  	_ =	shalt  }
0x70: {  	_ =	shalt  }
0x71: {  	_ =	shalt  }
0x72: {  	_ =	shalt  }
0x73: {  	_ =	shalt  }
0x74: {  	_ =	shalt  }
0x75: {  	_ =	shalt  }
0x76: {  	_ =	shalt  }
0x77: {  	_ =	shalt  }
0x78: {  	_ =	shalt  }
0x79: {  	_ =	shalt  }
0x7a: {  	_ =	shalt  }
0x7b: {  	_ =	shalt  }
0x7c: {  	_ =	shalt  }
0x7d: {  	_ =	shalt  }
0x7e: {  	_ =	shalt  }
0x7f: {  	_ =	shalt  }
0x80: {  	_ =	shalt  }
0x81: {  	_ =	shalt  }
0x82: {  	_ =	shalt  }
0x83: {  	_ =	shalt  }
0x84: {  	_ =	shalt  }
0x85: {  	_ =	shalt  }
0x86: {  	_ =	shalt  }
0x87: {  	_ =	shalt  }
.Lfunc_end0:
.L_simem_size_0:
called_computation_lowered:
.L_overlay_start_0:
0x88: {  	s2 =	sld [smem:$0x3FD9]  }
0x89: {  	s3 =	sld [smem:$0x3FFE];
	_ =	sdelay $0x1  }
0x8a: {  	s1 =	srdreg.scid  }
0x8b: {  	s0 =	sand.u32 $0x1, s1  }
0x8c: {  	s14 =	sshll.u32 s0, $0xA;
	s2 =	sadd.s32 s3, s2  }
0x8d: {  	s2 =	sadd.s32 s2, s14  }
0x8e: {  	[smem:$0x3FC0] =	sst s2  }
0x8f: {  	_ = 	snop  }
0x90: {  	s2 =	sld [smem:$0x3FD0];
	_ =	sdelay $0x2  }
0x91: {  	s15 =	simm.s32 $0xA;
	s4 =	simm.s32 $0x10  }
0x92: {  	[smem:s4], [sflag:s15] =	dma.local [hbm:s2], $0x1  }
0x93: {  	_ =	swait.eq [sflag:s15], $0x1  }
0x94: {  	[sflag:s15] =	ssyncset.done $0x0  }
0x95: {  	[sflag:s15] =	ssyncadd.s32 $0xFFFFFFFF  }
0x96: {  	s16 =	sld [smem:$0x10];
	(tm) =	ssettm $0x1  }
0x97: {  	s17 =	sld [smem:$0x3FFB];
	_ =	sdelay $0x3  }
0x98: {  	_ =	strace s17  }
0x99: {  	s3 =	sld [smem:$0x3FFC];
	_ =	sdelay $0x3  }
0x9a: {  	_ =	strace s3  }
0x9b: {  	s3 =	sld [smem:$0x3FFD];
	_ =	sdelay $0x3  }
0x9c: {  	_ =	strace s3  }
0x9d: {  	_ =	strace $0x8FFFFFFF  }
0x9e: {  	s18 =	sld [smem:$0x3FDB];
	_ =	sdelay $0x1  }
0x9f: {  	s19 =	simm.s32 $_scs_section_size  }
0xa0: {  	s5 =	simm.s32 $_size__tile_overlayer_lowered;
	s6 =	simm.s32 $_tile_overlayer_lowered  }
0xa1: {  	s22 =	simm.s32 $0x1BFF;
	s21 =	sshll.u32 s6, $0x1;
	s3 =	sadd.s32 s19, s18  }
0xa2: {  	s7 =	simm.s32 $0x0;
	s20 =	sshll.u32 s5, $0x1;
	s5 =	sadd.s32 s21, s3  }
0xa3: {  	[timem:s7], [sflag:s22] =	dma.local [hbm:s5], s20  }
0xa4: {  	_ =	swait.ge [sflag:s22], s20  }
0xa5: {  	s4 =	ssub.s32 $0x0, s20;
	[sflag:s22] =	ssyncset.done $0x0  }
0xa6: {  	[sflag:s22] =	ssyncadd.s32 s4;
	_ =	sdelay $0x1  }
0xa7: {  	s23 =	simm.s32 $0x1B8B  }
0xa8: {  	_ =	swait.ge [sflag:s23], $0x1  }
0xa9: {  	[sflag:s23] =	ssyncset.done $0x0  }
0xaa: {  	s25 =	simm.s32 $0x1B8E;
	s24 =	sld [smem:$0x3FFE];
	[sflag:s23] =	ssyncadd.s32 $0xFFFFFFFF  }
0xab: {  	s26 =	simm.s32 $execute0_lowered;
	[smem:$0x3FD2] =	sst s25  }
0xac: {  	s5 =	sshll.u32 s26, $0x1;
	_ =	strace $0x80000046;
	[dreg:$0x1] =	wrdreg $0xFFFFFFFF  }
0xad: {  	s28 =	simm.s32 $_size_execute0_lowered;
	s3 =	sadd.s32 s3, s5;
	[dreg:$0x0] =	wrdreg $0x0  }
0xae: {  	s5 =	sshll.u32 s28, $0x1;
	[dreg:$0x2] =	wrdreg s3  }
0xaf: {  	[dreg:$0x3] =	wrdreg s5  }
0xb0: {  	[dreg:$0x4] =	wrdreg $0xC0  }
0xb1: {  	_ =	task [dreg:s7], $0x5FFFF  }
0xb2: {  	[dreg:$0x1] =	wrdreg $0xFFFFFFFF  }
0xb3: {  	[dreg:$0x0] =	wrdreg $0x60  }
0xb4: {  	[dreg:$0x2] =	wrdreg s24  }
0xb5: {  	[dreg:$0x3] =	wrdreg s16  }
0xb6: {  	[dreg:$0x4] =	wrdreg $0xA8000  }
0xb7: {  	[dreg:$0x5] =	wrdreg $0x9  }
0xb8: {  	_ =	task.clear_ibuf [dreg:s7], $0x6FFFF;
	_ =	strace $0x90000046  }
0xb9: {  	s29 =	simm.s32 $0x9;
	_ =	strace $0x80000048  }
0xba: {  	_ =	swait.ge [sflag:s29], $0x1  }
0xbb: {  	[sflag:s29] =	ssyncadd.s32 $0xFFFFFFFF  }
0xbc: {  	_ =	strace $0x90000048  }
0xbd: {  	_ =	sfence  }
0xbe: {  	s30 =	sld [smem:$0x0];
	_ =	sdelay $0x2  }
0xbf: {  	s31 =	sshll.u32 s1, $0xD;
	s1 =	sshrl.u32 s1, $0x2  }
0xc0: {  	s3 =	sand.u32 $0x4000, s31;
	s1 =	sadd.s32 s1, s30  }
0xc1: {  	s0 =	sor.u32 s3, s0;
	s1 =	sshll.u32 s1, $0x11  }
0xc2: {  	s0 =	sor.u32 s1, s0  }
0xc3: {  	s0 =	sadd.s32 $0x8F2B, s0  }
0xc4: {  	[sflag:s0] =	ssyncadd.remote.s32 $0x1  }
0xc5: {  	_ =	sfence.sel $0xFFFF  }
0xc6: {  	[dreg:$0x0] =	wrdreg $0xFFFFFFFF;
	(pc) =	sbr.abs _section_cstart, $3  }
0xc7: {  	[dreg:$0x1] =	wrdreg $0xFFFFFFFF  }
0xc8: {  	_ =	task.clear_ibuf [dreg:s7], $0x2FFFF;
	_ =	strace $0x9FFFFFFF  }
0xc9: {  	(tm) =	ssettm $0x7FFFFFFF  }
tec
execute0_lowered:
.L_overlay_start_1:
0x0: {  	(tag) =	ssettag $0x1  }
0x1: {  	s7 =	rddreg [dreg:$0x0]  }
0x2: {  	s8 =	rddreg [dreg:$0x1]  }
0x3: {  	s2 =	rddreg [dreg:$0x2]  }
0x4: {  	s0 =	rddreg [dreg:$0x3];
	s3 =	simm.s32 $0x0;
	s1 =	stileid.u32  }
0x5: {  	s5 =	srdreg.scid;
	s17 =	simm.s32 $0x0;
	s4 =	smul.u32 $0x2700, s1  }
0x6: {  	[smem:$0x7FF] =	sst s3;
	s6 =	sshll.u32 s1, $0xC;
	s12 =	smul.u32 $0x4E000, s1  }
0x7: {  	s5 =	sand.u32 $0x1, s5;
	s29 =	smul.u32 $0x13800, s1;
	s14 =	sadd.s32 $0x124800, s2  }
0x8: {  	p0 =	seq.s32 s1, $0xF;
	_ =	strace $0x80000047;
	s6 =	sadd.s32 s6, s7  }
0x9: {  	s10 =	ssub.s32 $0x2, s5;
	s25 =	sshll.u32 s5, $0x10;
	s13 =	smul.u32 $0x138800, s5  }
0xa: {  	s16 =	sshll.u32 @!p0 s1, $0x6;
	s9 =	sadd.s32 s4, s7;
	s4 =	sadd.s32 $0x22400, s7  }
0xb: {  	s11 =	sshrl.u32 s10, $0x1;
	s26 =	sadd.s32 s25, s6;
	s28 =	sshrl.u32 s12, $0x2  }
0xc: {  	s7 =	sadd.s32 $0x47300, s7;
	s12 =	simm.s32 $0x8000;
	s10 =	ssub.s32 s10, s11  }
0xd: {  	s5 =	sadd.s32 $0x2400, s26;
	s15 =	sadd.s32 s28, s2;
	s6 =	sadd.s32 $0x22A00, s9  }
0xe: {  	s30 =	sadd.s32 s29, s13;
	s31 =	sshrl.u32 s13, $0x3;
	s13 =	sshrl.u32 @p0 s14, $0x3  }
0xf: {  	s14 =	sor.u32 @!p0 $0x1C01, s16;
	s16 =	simm.s32 $0x50;
	s9 =	sshrl.u32 s30, $0x3  }
0x10: {  	s11 =	sadd.s32 s8, s31;
	s10 =	smax.u32 s10, $0x1;
	s15 =	sshrl.u32 @!p0 s15, $0x3  }
0x11: {  	s8 =	sadd.s32 s8, s9;
	s9 =	sadd.s32 $0x24900, s11;
	s11 =	simm.s32 $0x1  }
.LBB2_1:
0x12: {  	[tilespmem:s3], [sflag:$0x1] =	stream.linear.gather [hbm4b:s5+s3], $0x7D00, $0x38;
	[tilespmem:$0x1E080] =	vst v63  }
0x13: {  	_ =	swait.ge [sflag:s11], $0x7D00  }
0x14: {  	[sflag:s11] =	ssyncset.done $0x0  }
0x15: {  	[sflag:s11] =	ssyncadd.s32 $0xFFFF8300  }
0x16: {  	[tilespmem:s12], [sflag:$0x1] =	stream.linear.gather [hbm4b:s4+s3], $0x2800, $0x38;
	[tilespmem:$0x1E080] =	vst v63  }
0x17: {  	_ =	swait.ge [sflag:s11], $0x2800  }
0x18: {  	[sflag:s11] =	ssyncset.done $0x0  }
0x19: {  	s18 =	simm.s32 @p0 $0x1FC1;
	[sflag:s11] =	ssyncadd.s32 $0xFFFFD800  }
0x1a: {  	[spmem:s13], [sflag:s18] =	dma.local @p0 [hbm:s7], $0x2800  }
0x1b: {  	s18 =	simm.s32 @p0 $0x1  }
0x1c: {  	_ =	swait.ge @p0 [sflag:s18], $0x2800  }
0x1d: {  	[sflag:s18] =	ssyncset.done @p0 $0x0  }
0x1e: {  	[sflag:s18] =	ssyncadd.s32 @p0 $0xFFFFD800;
	s18 =	simm.s32 @!p0 $0x1  }
0x1f: {  	[spmem:s15], [sflag:s14] =	dma.local @!p0 [hbm:s6], $0x2700  }
0x20: {  	_ =	swait.ge @!p0 [sflag:s18], $0x2700  }
0x21: {  	[sflag:s18] =	ssyncset.done @!p0 $0x0  }
0x22: {  	[sflag:s18] =	ssyncadd.s32 @!p0 $0xFFFFD900  }
0x23: {  	s31 =	simm.s32 $0x0;
	[bflag:$0x0] =	sbarrier.arrive $0xFFFF  }
0x24: {  	[spmem:s2] =	stream.indirect.scatter.add.f32 [tilespmem:s12], [sflag:$0x1], $0x80, s31, s16, $0xb8;
	[tilespmem:$0x1E080] =	vst v63  }
0x25: {  	_ =	swait.ge [sflag:s11], $0x2800  }
0x26: {  	s18 =	simm.s32 $0x200;
	[sflag:s11] =	ssyncset.done $0x0  }
.LBB2_2:
0x27: {  	s19 =	sshra.s32 s18, $0x2;
	[sflag:s11] =	ssyncadd.s32 $0xFFFFD800;
	p1 =	sne.s32 s18, $0x1F200  }
0x28: {  	[spmem:s2] =	stream.indirect.scatter.add.f32 [tilespmem:s12], [sflag:$0x1], $0x80, s19, s16, $0xb8;
	[tilespmem:$0x1E080] =	vst v63  }
.Ltmp0:
0x29: {  	_ = 	snop;
	(pc) =	sbr.rel @p1 .LBB2_2-.Ltmp0, $4  }
0x2a: {  	_ = 	snop  }
0x2b: {  	s18 =	sadd.s32 $0x200, s18  }
0x2c: {  	_ =	swait.ge [sflag:s11], $0x2800  }
0x2d: {  	[sflag:s11] =	ssyncset.done $0x0  }
0x2e: {  	[sflag:s11] =	ssyncadd.s32 $0xFFFFD800  }
0x2f: {  	s18 =	simm.s32 @p0 $0x1FC1;
	[bflag:$0x0] =	sbarrier.arrive $0xFFFF  }
0x30: {  	[hbm:s9], [sflag:s18] =	dma.local @p0 [spmem:s13], $0x2800  }
0x31: {  	s18 =	simm.s32 @p0 $0x1  }
0x32: {  	s17 =	sadd.s32 $0x1, s17;
	_ =	swait.ge @p0 [sflag:s18], $0x2800  }
0x33: {  	p1 =	sne.s32 s17, s10;
	[sflag:s18] =	ssyncset.done @p0 $0x0  }
.Ltmp1:
0x34: {  	[sflag:s18] =	ssyncadd.s32 @p0 $0xFFFFD800;
	s18 =	simm.s32 @!p0 $0x1;
	(pc) =	sbr.rel @p1 .LBB2_1-.Ltmp1, $4  }
0x35: {  	[hbm:s8], [sflag:s14] =	dma.local @!p0 [spmem:s15], $0x2700  }
0x36: {  	_ =	swait.ge @!p0 [sflag:s18], $0x2700  }
0x37: {  	[sflag:s18] =	ssyncset.done @!p0 $0x0  }
0x38: {  	[sflag:s18] =	ssyncadd.s32 @!p0 $0xFFFFD900  }
0x39: {  	_ =	sfence.sel $0x180000  }
0x3a: {  	[bflag:$0x0] =	sbarrier.arrive $0xFFFF  }
0x3b: {  	p0 =	sne.s32 s1, $0x0;
	_ =	strace $0x90000047  }
0x3c: {  	s0 =	sadd.s32 @!p0 $0x100000, s0;
	[bflag:$0x2] =	sbarrier.arrive $0xFFFF  }
0x3d: {  	[sflag:s0] =	ssyncadd.tile.s32 @!p0 $0x1;
	_ =	shalt  }
.Lfunc_end2:
_tile_overlayer_lowered:
.L_overlay_start_2:
0x3e: {  	(tag) =	ssettag $0x2  }
0x3f: {  	s0 =	rddreg [dreg:$0x0];
	s2 =	stileid.u32  }
0x40: {  	s1 =	rddreg [dreg:$0x1];
	p0 =	sne.s32 s2, $0x0  }
0x41: {  	s3 =	rddreg [dreg:$0x2];
	[bflag:$0x3] =	sbarrier.arrive $0xFFFF;
	s2 =	simm.s32 @!p0 $0x1C01  }
0x42: {  	[timem:s3], [sflag:s2] =	dma.local @!p0 [hbm:s0], s1  }
0x43: {  	s0 =	simm.s32 @!p0 $0x1  }
0x44: {  	_ =	swait.ge @!p0 [sflag:s0], s1  }
0x45: {  	s1 =	ssub.s32 @!p0 $0x0, s1;
	[sflag:s0] =	ssyncset.done @!p0 $0x0  }
0x46: {  	[sflag:s0] =	ssyncadd.s32 @!p0 s1  }
0x47: {  	[bflag:$0x3] =	sbarrier.arrive $0xFFFF  }
0x48: {  	_ =	shalt  }

</sc_bundles>
